<compile_context>
chip_gen: v7x
topology: tpu7x:2x2x1
jax: 0.10.2.dev20260603
libtpu: 0.0.44.dev20260713+nightly
codegen_flags: <defaults>
</compile_context>

<pallas_src>
import functools

import jax
import jax.numpy as jnp
from jax import lax
from jax.experimental import pallas as pl
from jax.experimental.pallas import tpu as pltpu
from jax.experimental.pallas import tpu_sc as plsc

N = 16384
C = 1000
NC = 2
NS = 16
L = 16
NW = NC * NS
RPW = N // NW
NCH = RPW // 128
GPC = 128 // L


def _make_sc_loss():
    mesh = plsc.VectorSubcoreMesh(core_axis_name="c", subcore_axis_name="s")

    @functools.partial(
        pl.kernel,
        mesh=mesh,
        compiler_params=pltpu.CompilerParams(needs_layout_passes=False),
        out_type=jax.ShapeDtypeStruct((NW, L), jnp.float32),
        scratch_types=[
            pltpu.VMEM((RPW,), jnp.int32),
            pltpu.VMEM((RPW,), jnp.float32),
            pltpu.VMEM((L,), jnp.float32),
            pltpu.VMEM((RPW, 128), jnp.float32),
            pltpu.VMEM((L,), jnp.float32),
            pltpu.SemaphoreType.DMA,
            pltpu.SemaphoreType.DMA,
            pltpu.SemaphoreType.DMA((NCH,)),
        ],
    )
    def sc_loss(probt_hbm, tgt_hbm, rew_hbm, dur_hbm, lw_hbm, out_hbm,
                tgt_v, rew_v, dl_v, dest_v, acc_v, semt, semr, semg):
        wid = lax.axis_index("s") * NC + lax.axis_index("c")
        base = wid * RPW
        cpt = pltpu.async_copy(tgt_hbm.at[pl.ds(base, RPW)], tgt_v, semt)
        cpr = pltpu.async_copy(rew_hbm.at[pl.ds(base, RPW)], rew_v, semr)
        cpd1 = pltpu.async_copy(dur_hbm, dl_v.at[pl.ds(0, 1)], semr)
        cpd2 = pltpu.async_copy(lw_hbm, dl_v.at[pl.ds(8, 1)], semr)
        lane = lax.iota(jnp.int32, L)
        cpt.wait()

        def issue(k, _):
            c = lax.div(k, GPC)
            cb = pl.multiple_of(base + c * 128, 128)
            t16 = tgt_v[pl.ds(k * L, L)]
            pltpu.async_copy(
                probt_hbm.at[t16, pl.ds(cb, 128)],
                dest_v.at[pl.ds(k * L, L)],
                semg.at[c],
            )
            return 0
        lax.fori_loop(0, NCH * GPC, issue, 0, unroll=False)

        cpr.wait()
        cpd1.wait()
        cpd2.wait()
        zero16 = jnp.zeros((L,), jnp.int32)
        dur = plsc.load_gather(dl_v, [zero16])
        lwdur = plsc.load_gather(dl_v, [zero16 + 8]) * dur

        acc = jnp.zeros((L,), jnp.float32)
        for c in range(NCH):
            pltpu.make_async_copy(
                probt_hbm.at[pl.ds(0, 128), pl.ds(0, 128)],
                dest_v.at[pl.ds(c * 128, 128)],
                semg.at[c],
            ).wait()

            def accum(g, a, c=c):
                k = c * GPC + g
                slots = lane + k * L
                lanes = lax.bitwise_and(slots, 127)
                sel = plsc.load_gather(dest_v, [slots, lanes])
                rw = rew_v[pl.ds(k * L, L)]
                loss = sel + lwdur / (dur / sel)
                return a + loss * rw
            acc = lax.fori_loop(0, GPC, accum, acc, unroll=False)

        acc_v[...] = acc
        pltpu.sync_copy(acc_v, out_hbm.at[wid])

    return sc_loss


_sc_loss = _make_sc_loss()


def kernel(prob, dur_loss, target, reward, loss_weight=0.1):
    probt = prob.T
    tgt = target.astype(jnp.int32)
    rew = reward.astype(jnp.float32)
    dur = dur_loss.astype(jnp.float32)
    lw1 = jnp.reshape(jnp.float32(loss_weight), (1,))
    partial = _sc_loss(probt, tgt, rew, dur, lw1)
    return -(jnp.sum(partial) / jnp.float32(N))

# --- scband reference (transcript-rebuilt; emitter-appended) ---
"""Pipeline reference for scband-ganloss-24885040513218 (READ-ONLY COPY).

The authoritative reference and input builder live on the scoring server;
editing this copy changes nothing except your own understanding.
"""

import jax, jax.numpy as jnp
import numpy as np

N = 16384
C = 1000

def setup_inputs(seed: int = 0) -> dict:
    key = jax.random.key(seed)
    k1, k2, k3, k4 = jax.random.split(key, 4)
    prob = jax.random.normal(k1, (N, C), dtype=jnp.float32)
    dur_loss = jax.random.uniform(k2, (1,), dtype=jnp.float32)
    target = jax.random.randint(k3, (N,), 0, C, dtype=jnp.int64)
    reward = jax.random.uniform(k4, (N,), dtype=jnp.float32)
    return {"prob": prob, "dur_loss": dur_loss, "target": target, "reward": reward,
            "loss_weight": jnp.float32(0.1)}

def reference(prob, dur_loss, target, reward, loss_weight=0.1):
    # one_hot scatter + masked_select == gather of prob at the target index per row
    n = prob.shape[0]
    sel = prob[jnp.arange(n), target]  # (N,)
    # loss = loss + loss_weight * dur_loss / (dur_loss / loss).detach()
    loss = sel + loss_weight * dur_loss / jax.lax.stop_gradient(dur_loss / sel)
    loss = loss * reward
    return -jnp.mean(loss)

if __name__ == "__main__":
    import jax
    _d = setup_inputs()
    print(jax.jit(kernel)(*tuple(_d.values())))

</pallas_src>

<mosaic_0001>
#map = affine_map<(d0, d1) -> (0, 0)>
#map1 = affine_map<(d0, d1) -> (0)>
module attributes {stable_mosaic.version = 14 : i64} {
  func.func @sc_loss(%arg0: i32, %arg1: i32, %arg2: memref<1000x16384xf32, #tpu.memory_space<hbm>>, %arg3: memref<16384xi32, #tpu.memory_space<hbm>>, %arg4: memref<16384xf32, #tpu.memory_space<hbm>>, %arg5: memref<1xf32, #tpu.memory_space<hbm>>, %arg6: memref<1xf32, #tpu.memory_space<hbm>>, %arg7: memref<32x16xf32, #tpu.memory_space<hbm>>, %arg8: memref<512xi32, #tpu.memory_space<vmem>>, %arg9: memref<512xf32, #tpu.memory_space<vmem>>, %arg10: memref<16xf32, #tpu.memory_space<vmem>>, %arg11: memref<512x128xf32, #tpu.memory_space<vmem>>, %arg12: memref<16xf32, #tpu.memory_space<vmem>>, %arg13: memref<!tpu.dma_semaphore, #tpu.memory_space<semaphore_mem>>, %arg14: memref<!tpu.dma_semaphore, #tpu.memory_space<semaphore_mem>>, %arg15: memref<4x!tpu.dma_semaphore, #tpu.memory_space<semaphore_mem>>) attributes {dimension_semantics = [#tpu.dimension_semantics<core_parallel>, #tpu.dimension_semantics<subcore_parallel>], iteration_bounds = array<i64: 2, 16>, scalar_prefetch = 0 : i64, scratch_operands = 8 : i64, tpu.core_type = #tpu.core_type<sc_vector_subcore>, window_params = [{transform_indices = #map}, {transform_indices = #map1}, {transform_indices = #map1}, {transform_indices = #map1}, {transform_indices = #map1}, {transform_indices = #map}]} {
    %mul3A = arith.constant 2 : i32
    %mul3A_0 = arith.muli %arg1, %mul3A : i32
    %add3A = arith.addi %mul3A_0, %arg0 : i32
    %mul3A_1 = arith.constant 512 : i32
    %mul3A_2 = arith.muli %add3A, %mul3A_1 : i32
    %dma_start3A = tpu.memref_slice %arg3[%mul3A_2] : memref<16384xi32, #tpu.memory_space<hbm>> -> memref<512xi32, #tpu.memory_space<hbm>>
    %dma_start3A_3 = tpu.memref_slice %arg3[%mul3A_2] : memref<16384xi32, #tpu.memory_space<hbm>> -> memref<512xi32, #tpu.memory_space<hbm>>
    tpu.enqueue_dma source(%dma_start3A_3 : memref<512xi32, #tpu.memory_space<hbm>>) target(%arg8 : memref<512xi32, #tpu.memory_space<vmem>>) target_semaphore(%arg13 : memref<!tpu.dma_semaphore, #tpu.memory_space<semaphore_mem>>)
    %dma_start3A_4 = tpu.memref_slice %arg4[%mul3A_2] : memref<16384xf32, #tpu.memory_space<hbm>> -> memref<512xf32, #tpu.memory_space<hbm>>
    %dma_start3A_5 = tpu.memref_slice %arg4[%mul3A_2] : memref<16384xf32, #tpu.memory_space<hbm>> -> memref<512xf32, #tpu.memory_space<hbm>>
    tpu.enqueue_dma source(%dma_start3A_5 : memref<512xf32, #tpu.memory_space<hbm>>) target(%arg9 : memref<512xf32, #tpu.memory_space<vmem>>) target_semaphore(%arg14 : memref<!tpu.dma_semaphore, #tpu.memory_space<semaphore_mem>>)
    %dma_start3A_6 = arith.constant 0 : i32
    %dma_start3A_7 = tpu.memref_slice %arg10[%dma_start3A_6] : memref<16xf32, #tpu.memory_space<vmem>> -> memref<1xf32, #tpu.memory_space<vmem>>
    %dma_start3A_8 = arith.constant 0 : i32
    %dma_start3A_9 = tpu.memref_slice %arg10[%dma_start3A_8] : memref<16xf32, #tpu.memory_space<vmem>> -> memref<1xf32, #tpu.memory_space<vmem>>
    tpu.enqueue_dma source(%arg5 : memref<1xf32, #tpu.memory_space<hbm>>) target(%dma_start3A_9 : memref<1xf32, #tpu.memory_space<vmem>>) target_semaphore(%arg14 : memref<!tpu.dma_semaphore, #tpu.memory_space<semaphore_mem>>)
    %dma_start3A_10 = arith.constant 8 : i32
    %dma_start3A_11 = tpu.memref_slice %arg10[%dma_start3A_10] : memref<16xf32, #tpu.memory_space<vmem>> -> memref<1xf32, #tpu.memory_space<vmem>>
    %dma_start3A_12 = arith.constant 8 : i32
    %dma_start3A_13 = tpu.memref_slice %arg10[%dma_start3A_12] : memref<16xf32, #tpu.memory_space<vmem>> -> memref<1xf32, #tpu.memory_space<vmem>>
    tpu.enqueue_dma source(%arg6 : memref<1xf32, #tpu.memory_space<hbm>>) target(%dma_start3A_13 : memref<1xf32, #tpu.memory_space<vmem>>) target_semaphore(%arg14 : memref<!tpu.dma_semaphore, #tpu.memory_space<semaphore_mem>>)
    %iota3A = tpu.iota {dimensions = array<i32: 0>} : vector<16xi32>
    %dma_wait3A = tpu.memref_slice %arg3[%mul3A_2] : memref<16384xi32, #tpu.memory_space<hbm>> -> memref<512xi32, #tpu.memory_space<hbm>>
    %dma_wait3A_14 = tpu.memref_slice %arg3[%mul3A_2] : memref<16384xi32, #tpu.memory_space<hbm>> -> memref<512xi32, #tpu.memory_space<hbm>>
    tpu.wait_dma2 semaphore(%arg13 : memref<!tpu.dma_semaphore, #tpu.memory_space<semaphore_mem>>) src(%dma_wait3A_14 : memref<512xi32, #tpu.memory_space<hbm>>) dst(%arg8 : memref<512xi32, #tpu.memory_space<vmem>>)
    %scan3A = arith.constant 0 : i32
    %scan3A_15 = arith.constant 0 : i32
    %scan3A_16 = arith.constant 32 : i32
    %scan3A_17 = arith.addi %scan3A_15, %scan3A_16 : i32
    %scan3A_18 = arith.constant 1 : i32
    %scan3A_19 = scf.for %scan3A_124 = %scan3A_15 to %scan3A_17 step %scan3A_18 iter_args(%scan3A_125 = %scan3A) -> (i32)  : i32 {
      %div3A = arith.constant 8 : i32
      %div3A_126 = arith.divsi %scan3A_124, %div3A : i32
      %mul3A_127 = arith.constant 128 : i32
      %mul3A_128 = arith.muli %div3A_126, %mul3A_127 : i32
      %add3A_129 = arith.addi %mul3A_2, %mul3A_128 : i32
      %multiple_of3A = tpu.assume_multiple %add3A_129, 128 : i32
      %mul3A_130 = arith.constant 16 : i32
      %mul3A_131 = arith.muli %scan3A_124, %mul3A_130 : i32
      %get3A = arith.index_cast %mul3A_131 : i32 to index
      %get3A_132 = tpu.vector_load %arg8[%get3A] {strides = array<i32>} : memref<512xi32, #tpu.memory_space<vmem>>, vector<16xi32>,
      %mul3A_133 = arith.constant 16 : i32
      %mul3A_134 = arith.muli %scan3A_124, %mul3A_133 : i32
      %dma_start3A_135 = arith.constant 0 : i32
      %dma_start3A_136 = tpu.memref_slice %arg11[%mul3A_134, %dma_start3A_135] : memref<512x128xf32, #tpu.memory_space<vmem>> -> memref<16x128xf32, #tpu.memory_space<vmem>>
      %dma_start3A_137 = arith.constant 0 : i32
      %dma_start3A_138 = tpu.memref_slice %arg2[%dma_start3A_137, %multiple_of3A] : memref<1000x16384xf32, #tpu.memory_space<hbm>> -> memref<1000x128xf32, #tpu.memory_space<hbm>>
      %dma_start3A_139 = tpu.memref_slice %arg15[%div3A_126] : memref<4x!tpu.dma_semaphore, #tpu.memory_space<semaphore_mem>> -> memref<1x!tpu.dma_semaphore, #tpu.memory_space<semaphore_mem>>
      %dma_start3A_140 = tpu.memref_squeeze %dma_start3A_139 : memref<1x!tpu.dma_semaphore, #tpu.memory_space<semaphore_mem>> -> memref<!tpu.dma_semaphore, #tpu.memory_space<semaphore_mem>>
      tpu.enqueue_indirect_dma source(%dma_start3A_138 : memref<1000x128xf32, #tpu.memory_space<hbm>>) target(%dma_start3A_136 : memref<16x128xf32, #tpu.memory_space<vmem>>) offsets(%get3A_132 : vector<16xi32>) semaphore(%dma_start3A_140 : memref<!tpu.dma_semaphore, #tpu.memory_space<semaphore_mem>>)
      %scan3A_141 = arith.constant 0 : i32
      scf.yield %scan3A_141 : i32
    }
    %scan3A_20 = arith.constant 32 : i32
    %dma_wait3A_21 = tpu.memref_slice %arg4[%mul3A_2] : memref<16384xf32, #tpu.memory_space<hbm>> -> memref<512xf32, #tpu.memory_space<hbm>>
    %dma_wait3A_22 = tpu.memref_slice %arg4[%mul3A_2] : memref<16384xf32, #tpu.memory_space<hbm>> -> memref<512xf32, #tpu.memory_space<hbm>>
    tpu.wait_dma2 semaphore(%arg14 : memref<!tpu.dma_semaphore, #tpu.memory_space<semaphore_mem>>) src(%dma_wait3A_22 : memref<512xf32, #tpu.memory_space<hbm>>) dst(%arg9 : memref<512xf32, #tpu.memory_space<vmem>>)
    %dma_wait3A_23 = arith.constant 0 : i32
    %dma_wait3A_24 = tpu.memref_slice %arg10[%dma_wait3A_23] : memref<16xf32, #tpu.memory_space<vmem>> -> memref<1xf32, #tpu.memory_space<vmem>>
    %dma_wait3A_25 = arith.constant 0 : i32
    %dma_wait3A_26 = tpu.memref_slice %arg10[%dma_wait3A_25] : memref<16xf32, #tpu.memory_space<vmem>> -> memref<1xf32, #tpu.memory_space<vmem>>
    tpu.wait_dma2 semaphore(%arg14 : memref<!tpu.dma_semaphore, #tpu.memory_space<semaphore_mem>>) src(%arg5 : memref<1xf32, #tpu.memory_space<hbm>>) dst(%dma_wait3A_26 : memref<1xf32, #tpu.memory_space<vmem>>)
    %dma_wait3A_27 = arith.constant 8 : i32
    %dma_wait3A_28 = tpu.memref_slice %arg10[%dma_wait3A_27] : memref<16xf32, #tpu.memory_space<vmem>> -> memref<1xf32, #tpu.memory_space<vmem>>
    %dma_wait3A_29 = arith.constant 8 : i32
    %dma_wait3A_30 = tpu.memref_slice %arg10[%dma_wait3A_29] : memref<16xf32, #tpu.memory_space<vmem>> -> memref<1xf32, #tpu.memory_space<vmem>>
    tpu.wait_dma2 semaphore(%arg14 : memref<!tpu.dma_semaphore, #tpu.memory_space<semaphore_mem>>) src(%arg6 : memref<1xf32, #tpu.memory_space<hbm>>) dst(%dma_wait3A_30 : memref<1xf32, #tpu.memory_space<vmem>>)
    %broadcast_in_dim3A = arith.constant 0 : i32
    %broadcast_in_dim3A_31 = vector.broadcast %broadcast_in_dim3A : i32 to vector<16xi32>
    %gather3A = tpu.vector_load_idx %arg10[%broadcast_in_dim3A_31] : memref<16xf32, #tpu.memory_space<vmem>>[vector<16xi32>], vector<16xf32>,
    %add3A_32 = arith.constant 8 : i32
    %add3A_33 = vector.broadcast %add3A_32 : i32 to vector<16xi32>
    %add3A_34 = arith.addi %broadcast_in_dim3A_31, %add3A_33 : vector<16xi32>
    %gather3A_35 = tpu.vector_load_idx %arg10[%add3A_34] : memref<16xf32, #tpu.memory_space<vmem>>[vector<16xi32>], vector<16xf32>,
    %mul3A_36 = arith.mulf %gather3A_35, %gather3A : vector<16xf32>
    %broadcast_in_dim3A_37 = arith.constant 0.000000e+00 : f32
    %broadcast_in_dim3A_38 = vector.broadcast %broadcast_in_dim3A_37 : f32 to vector<16xf32>
    %dma_wait3A_39 = arith.constant 0 : i32
    %dma_wait3A_40 = arith.constant 0 : i32
    %dma_wait3A_41 = arith.constant 0 : i32
    %dma_wait3A_42 = tpu.memref_slice %arg11[%dma_wait3A_40, %dma_wait3A_41] : memref<512x128xf32, #tpu.memory_space<vmem>> -> memref<128x128xf32, #tpu.memory_space<vmem>>
    %dma_wait3A_43 = arith.constant 0 : i32
    %dma_wait3A_44 = arith.constant 0 : i32
    %dma_wait3A_45 = tpu.memref_slice %arg2[%dma_wait3A_43, %dma_wait3A_44] : memref<1000x16384xf32, #tpu.memory_space<hbm>> -> memref<128x128xf32, #tpu.memory_space<hbm>>
    %dma_wait3A_46 = tpu.memref_slice %arg15[%dma_wait3A_39] : memref<4x!tpu.dma_semaphore, #tpu.memory_space<semaphore_mem>> -> memref<1x!tpu.dma_semaphore, #tpu.memory_space<semaphore_mem>>
    %dma_wait3A_47 = tpu.memref_squeeze %dma_wait3A_46 : memref<1x!tpu.dma_semaphore, #tpu.memory_space<semaphore_mem>> -> memref<!tpu.dma_semaphore, #tpu.memory_space<semaphore_mem>>
    %dma_wait3A_48 = arith.constant 0 : i32
    %dma_wait3A_49 = arith.constant 0 : i32
    %dma_wait3A_50 = tpu.memref_slice %arg11[%dma_wait3A_48, %dma_wait3A_49] : memref<512x128xf32, #tpu.memory_space<vmem>> -> memref<128x128xf32, #tpu.memory_space<vmem>>
    %dma_wait3A_51 = arith.constant 0 : i32
    %dma_wait3A_52 = arith.constant 0 : i32
    %dma_wait3A_53 = tpu.memref_slice %arg2[%dma_wait3A_51, %dma_wait3A_52] : memref<1000x16384xf32, #tpu.memory_space<hbm>> -> memref<128x128xf32, #tpu.memory_space<hbm>>
    tpu.wait_dma2 semaphore(%dma_wait3A_47 : memref<!tpu.dma_semaphore, #tpu.memory_space<semaphore_mem>>) src(%dma_wait3A_53 : memref<128x128xf32, #tpu.memory_space<hbm>>) dst(%dma_wait3A_50 : memref<128x128xf32, #tpu.memory_space<vmem>>)
    %scan3A_54 = arith.constant 0 : i32
    %scan3A_55 = arith.constant 8 : i32
    %scan3A_56 = arith.addi %scan3A_54, %scan3A_55 : i32
    %scan3A_57 = arith.constant 1 : i32
    %scan3A_58 = scf.for %scan3A_124 = %scan3A_54 to %scan3A_56 step %scan3A_57 iter_args(%scan3A_125 = %broadcast_in_dim3A_38) -> (vector<16xf32>)  : i32 {
      %add3A_126 = arith.constant 0 : i32
      %add3A_127 = arith.addi %add3A_126, %scan3A_124 : i32
      %mul3A_128 = arith.constant 16 : i32
      %mul3A_129 = arith.muli %add3A_127, %mul3A_128 : i32
      %add3A_130 = vector.broadcast %mul3A_129 : i32 to vector<16xi32>
      %add3A_131 = arith.addi %iota3A, %add3A_130 : vector<16xi32>
      %and3A = arith.constant 127 : i32
      %and3A_132 = vector.broadcast %and3A : i32 to vector<16xi32>
      %and3A_133 = arith.andi %add3A_131, %and3A_132 : vector<16xi32>
      %gather3A_134 = tpu.vector_load_idx %arg11[%add3A_131, %and3A_133] : memref<512x128xf32, #tpu.memory_space<vmem>>[vector<16xi32>, vector<16xi32>], vector<16xf32>,
      %mul3A_135 = arith.constant 16 : i32
      %mul3A_136 = arith.muli %add3A_127, %mul3A_135 : i32
      %get3A = arith.index_cast %mul3A_136 : i32 to index
      %get3A_137 = tpu.vector_load %arg9[%get3A] {strides = array<i32>} : memref<512xf32, #tpu.memory_space<vmem>>, vector<16xf32>,
      %div3A = arith.divf %gather3A, %gather3A_134 : vector<16xf32>
      %div3A_138 = arith.divf %mul3A_36, %div3A : vector<16xf32>
      %add3A_139 = arith.addf %gather3A_134, %div3A_138 : vector<16xf32>
      %mul3A_140 = arith.mulf %add3A_139, %get3A_137 : vector<16xf32>
      %add3A_141 = arith.addf %scan3A_125, %mul3A_140 : vector<16xf32>
      scf.yield %add3A_141 : vector<16xf32>
    }
    %scan3A_59 = arith.constant 8 : i32
    %dma_wait3A_60 = arith.constant 1 : i32
    %dma_wait3A_61 = arith.constant 128 : i32
    %dma_wait3A_62 = arith.constant 0 : i32
    %dma_wait3A_63 = tpu.memref_slice %arg11[%dma_wait3A_61, %dma_wait3A_62] : memref<512x128xf32, #tpu.memory_space<vmem>> -> memref<128x128xf32, #tpu.memory_space<vmem>>
    %dma_wait3A_64 = arith.constant 0 : i32
    %dma_wait3A_65 = arith.constant 0 : i32
    %dma_wait3A_66 = tpu.memref_slice %arg2[%dma_wait3A_64, %dma_wait3A_65] : memref<1000x16384xf32, #tpu.memory_space<hbm>> -> memref<128x128xf32, #tpu.memory_space<hbm>>
    %dma_wait3A_67 = tpu.memref_slice %arg15[%dma_wait3A_60] : memref<4x!tpu.dma_semaphore, #tpu.memory_space<semaphore_mem>> -> memref<1x!tpu.dma_semaphore, #tpu.memory_space<semaphore_mem>>
    %dma_wait3A_68 = tpu.memref_squeeze %dma_wait3A_67 : memref<1x!tpu.dma_semaphore, #tpu.memory_space<semaphore_mem>> -> memref<!tpu.dma_semaphore, #tpu.memory_space<semaphore_mem>>
    %dma_wait3A_69 = arith.constant 128 : i32
    %dma_wait3A_70 = arith.constant 0 : i32
    %dma_wait3A_71 = tpu.memref_slice %arg11[%dma_wait3A_69, %dma_wait3A_70] : memref<512x128xf32, #tpu.memory_space<vmem>> -> memref<128x128xf32, #tpu.memory_space<vmem>>
    %dma_wait3A_72 = arith.constant 0 : i32
    %dma_wait3A_73 = arith.constant 0 : i32
    %dma_wait3A_74 = tpu.memref_slice %arg2[%dma_wait3A_72, %dma_wait3A_73] : memref<1000x16384xf32, #tpu.memory_space<hbm>> -> memref<128x128xf32, #tpu.memory_space<hbm>>
    tpu.wait_dma2 semaphore(%dma_wait3A_68 : memref<!tpu.dma_semaphore, #tpu.memory_space<semaphore_mem>>) src(%dma_wait3A_74 : memref<128x128xf32, #tpu.memory_space<hbm>>) dst(%dma_wait3A_71 : memref<128x128xf32, #tpu.memory_space<vmem>>)
    %scan3A_75 = arith.constant 0 : i32
    %scan3A_76 = arith.constant 8 : i32
    %scan3A_77 = arith.addi %scan3A_75, %scan3A_76 : i32
    %scan3A_78 = arith.constant 1 : i32
    %scan3A_79 = scf.for %scan3A_124 = %scan3A_75 to %scan3A_77 step %scan3A_78 iter_args(%scan3A_125 = %scan3A_58) -> (vector<16xf32>)  : i32 {
      %add3A_126 = arith.constant 8 : i32
      %add3A_127 = arith.addi %add3A_126, %scan3A_124 : i32
      %mul3A_128 = arith.constant 16 : i32
      %mul3A_129 = arith.muli %add3A_127, %mul3A_128 : i32
      %add3A_130 = vector.broadcast %mul3A_129 : i32 to vector<16xi32>
      %add3A_131 = arith.addi %iota3A, %add3A_130 : vector<16xi32>
      %and3A = arith.constant 127 : i32
      %and3A_132 = vector.broadcast %and3A : i32 to vector<16xi32>
      %and3A_133 = arith.andi %add3A_131, %and3A_132 : vector<16xi32>
      %gather3A_134 = tpu.vector_load_idx %arg11[%add3A_131, %and3A_133] : memref<512x128xf32, #tpu.memory_space<vmem>>[vector<16xi32>, vector<16xi32>], vector<16xf32>,
      %mul3A_135 = arith.constant 16 : i32
      %mul3A_136 = arith.muli %add3A_127, %mul3A_135 : i32
      %get3A = arith.index_cast %mul3A_136 : i32 to index
      %get3A_137 = tpu.vector_load %arg9[%get3A] {strides = array<i32>} : memref<512xf32, #tpu.memory_space<vmem>>, vector<16xf32>,
      %div3A = arith.divf %gather3A, %gather3A_134 : vector<16xf32>
      %div3A_138 = arith.divf %mul3A_36, %div3A : vector<16xf32>
      %add3A_139 = arith.addf %gather3A_134, %div3A_138 : vector<16xf32>
      %mul3A_140 = arith.mulf %add3A_139, %get3A_137 : vector<16xf32>
      %add3A_141 = arith.addf %scan3A_125, %mul3A_140 : vector<16xf32>
      scf.yield %add3A_141 : vector<16xf32>
    }
    %scan3A_80 = arith.constant 8 : i32
    %dma_wait3A_81 = arith.constant 2 : i32
    %dma_wait3A_82 = arith.constant 256 : i32
    %dma_wait3A_83 = arith.constant 0 : i32
    %dma_wait3A_84 = tpu.memref_slice %arg11[%dma_wait3A_82, %dma_wait3A_83] : memref<512x128xf32, #tpu.memory_space<vmem>> -> memref<128x128xf32, #tpu.memory_space<vmem>>
    %dma_wait3A_85 = arith.constant 0 : i32
    %dma_wait3A_86 = arith.constant 0 : i32
    %dma_wait3A_87 = tpu.memref_slice %arg2[%dma_wait3A_85, %dma_wait3A_86] : memref<1000x16384xf32, #tpu.memory_space<hbm>> -> memref<128x128xf32, #tpu.memory_space<hbm>>
    %dma_wait3A_88 = tpu.memref_slice %arg15[%dma_wait3A_81] : memref<4x!tpu.dma_semaphore, #tpu.memory_space<semaphore_mem>> -> memref<1x!tpu.dma_semaphore, #tpu.memory_space<semaphore_mem>>
    %dma_wait3A_89 = tpu.memref_squeeze %dma_wait3A_88 : memref<1x!tpu.dma_semaphore, #tpu.memory_space<semaphore_mem>> -> memref<!tpu.dma_semaphore, #tpu.memory_space<semaphore_mem>>
    %dma_wait3A_90 = arith.constant 256 : i32
    %dma_wait3A_91 = arith.constant 0 : i32
    %dma_wait3A_92 = tpu.memref_slice %arg11[%dma_wait3A_90, %dma_wait3A_91] : memref<512x128xf32, #tpu.memory_space<vmem>> -> memref<128x128xf32, #tpu.memory_space<vmem>>
    %dma_wait3A_93 = arith.constant 0 : i32
    %dma_wait3A_94 = arith.constant 0 : i32
    %dma_wait3A_95 = tpu.memref_slice %arg2[%dma_wait3A_93, %dma_wait3A_94] : memref<1000x16384xf32, #tpu.memory_space<hbm>> -> memref<128x128xf32, #tpu.memory_space<hbm>>
    tpu.wait_dma2 semaphore(%dma_wait3A_89 : memref<!tpu.dma_semaphore, #tpu.memory_space<semaphore_mem>>) src(%dma_wait3A_95 : memref<128x128xf32, #tpu.memory_space<hbm>>) dst(%dma_wait3A_92 : memref<128x128xf32, #tpu.memory_space<vmem>>)
    %scan3A_96 = arith.constant 0 : i32
    %scan3A_97 = arith.constant 8 : i32
    %scan3A_98 = arith.addi %scan3A_96, %scan3A_97 : i32
    %scan3A_99 = arith.constant 1 : i32
    %scan3A_100 = scf.for %scan3A_124 = %scan3A_96 to %scan3A_98 step %scan3A_99 iter_args(%scan3A_125 = %scan3A_79) -> (vector<16xf32>)  : i32 {
      %add3A_126 = arith.constant 16 : i32
      %add3A_127 = arith.addi %add3A_126, %scan3A_124 : i32
      %mul3A_128 = arith.constant 16 : i32
      %mul3A_129 = arith.muli %add3A_127, %mul3A_128 : i32
      %add3A_130 = vector.broadcast %mul3A_129 : i32 to vector<16xi32>
      %add3A_131 = arith.addi %iota3A, %add3A_130 : vector<16xi32>
      %and3A = arith.constant 127 : i32
      %and3A_132 = vector.broadcast %and3A : i32 to vector<16xi32>
      %and3A_133 = arith.andi %add3A_131, %and3A_132 : vector<16xi32>
      %gather3A_134 = tpu.vector_load_idx %arg11[%add3A_131, %and3A_133] : memref<512x128xf32, #tpu.memory_space<vmem>>[vector<16xi32>, vector<16xi32>], vector<16xf32>,
      %mul3A_135 = arith.constant 16 : i32
      %mul3A_136 = arith.muli %add3A_127, %mul3A_135 : i32
      %get3A = arith.index_cast %mul3A_136 : i32 to index
      %get3A_137 = tpu.vector_load %arg9[%get3A] {strides = array<i32>} : memref<512xf32, #tpu.memory_space<vmem>>, vector<16xf32>,
      %div3A = arith.divf %gather3A, %gather3A_134 : vector<16xf32>
      %div3A_138 = arith.divf %mul3A_36, %div3A : vector<16xf32>
      %add3A_139 = arith.addf %gather3A_134, %div3A_138 : vector<16xf32>
      %mul3A_140 = arith.mulf %add3A_139, %get3A_137 : vector<16xf32>
      %add3A_141 = arith.addf %scan3A_125, %mul3A_140 : vector<16xf32>
      scf.yield %add3A_141 : vector<16xf32>
    }
    %scan3A_101 = arith.constant 8 : i32
    %dma_wait3A_102 = arith.constant 3 : i32
    %dma_wait3A_103 = arith.constant 384 : i32
    %dma_wait3A_104 = arith.constant 0 : i32
    %dma_wait3A_105 = tpu.memref_slice %arg11[%dma_wait3A_103, %dma_wait3A_104] : memref<512x128xf32, #tpu.memory_space<vmem>> -> memref<128x128xf32, #tpu.memory_space<vmem>>
    %dma_wait3A_106 = arith.constant 0 : i32
    %dma_wait3A_107 = arith.constant 0 : i32
    %dma_wait3A_108 = tpu.memref_slice %arg2[%dma_wait3A_106, %dma_wait3A_107] : memref<1000x16384xf32, #tpu.memory_space<hbm>> -> memref<128x128xf32, #tpu.memory_space<hbm>>
    %dma_wait3A_109 = tpu.memref_slice %arg15[%dma_wait3A_102] : memref<4x!tpu.dma_semaphore, #tpu.memory_space<semaphore_mem>> -> memref<1x!tpu.dma_semaphore, #tpu.memory_space<semaphore_mem>>
    %dma_wait3A_110 = tpu.memref_squeeze %dma_wait3A_109 : memref<1x!tpu.dma_semaphore, #tpu.memory_space<semaphore_mem>> -> memref<!tpu.dma_semaphore, #tpu.memory_space<semaphore_mem>>
    %dma_wait3A_111 = arith.constant 384 : i32
    %dma_wait3A_112 = arith.constant 0 : i32
    %dma_wait3A_113 = tpu.memref_slice %arg11[%dma_wait3A_111, %dma_wait3A_112] : memref<512x128xf32, #tpu.memory_space<vmem>> -> memref<128x128xf32, #tpu.memory_space<vmem>>
    %dma_wait3A_114 = arith.constant 0 : i32
    %dma_wait3A_115 = arith.constant 0 : i32
    %dma_wait3A_116 = tpu.memref_slice %arg2[%dma_wait3A_114, %dma_wait3A_115] : memref<1000x16384xf32, #tpu.memory_space<hbm>> -> memref<128x128xf32, #tpu.memory_space<hbm>>
    tpu.wait_dma2 semaphore(%dma_wait3A_110 : memref<!tpu.dma_semaphore, #tpu.memory_space<semaphore_mem>>) src(%dma_wait3A_116 : memref<128x128xf32, #tpu.memory_space<hbm>>) dst(%dma_wait3A_113 : memref<128x128xf32, #tpu.memory_space<vmem>>)
    %scan3A_117 = arith.constant 0 : i32
    %scan3A_118 = arith.constant 8 : i32
    %scan3A_119 = arith.addi %scan3A_117, %scan3A_118 : i32
    %scan3A_120 = arith.constant 1 : i32
    %scan3A_121 = scf.for %scan3A_124 = %scan3A_117 to %scan3A_119 step %scan3A_120 iter_args(%scan3A_125 = %scan3A_100) -> (vector<16xf32>)  : i32 {
      %add3A_126 = arith.constant 24 : i32
      %add3A_127 = arith.addi %add3A_126, %scan3A_124 : i32
      %mul3A_128 = arith.constant 16 : i32
      %mul3A_129 = arith.muli %add3A_127, %mul3A_128 : i32
      %add3A_130 = vector.broadcast %mul3A_129 : i32 to vector<16xi32>
      %add3A_131 = arith.addi %iota3A, %add3A_130 : vector<16xi32>
      %and3A = arith.constant 127 : i32
      %and3A_132 = vector.broadcast %and3A : i32 to vector<16xi32>
      %and3A_133 = arith.andi %add3A_131, %and3A_132 : vector<16xi32>
      %gather3A_134 = tpu.vector_load_idx %arg11[%add3A_131, %and3A_133] : memref<512x128xf32, #tpu.memory_space<vmem>>[vector<16xi32>, vector<16xi32>], vector<16xf32>,
      %mul3A_135 = arith.constant 16 : i32
      %mul3A_136 = arith.muli %add3A_127, %mul3A_135 : i32
      %get3A = arith.index_cast %mul3A_136 : i32 to index
      %get3A_137 = tpu.vector_load %arg9[%get3A] {strides = array<i32>} : memref<512xf32, #tpu.memory_space<vmem>>, vector<16xf32>,
      %div3A = arith.divf %gather3A, %gather3A_134 : vector<16xf32>
      %div3A_138 = arith.divf %mul3A_36, %div3A : vector<16xf32>
      %add3A_139 = arith.addf %gather3A_134, %div3A_138 : vector<16xf32>
      %mul3A_140 = arith.mulf %add3A_139, %get3A_137 : vector<16xf32>
      %add3A_141 = arith.addf %scan3A_125, %mul3A_140 : vector<16xf32>
      scf.yield %add3A_141 : vector<16xf32>
    }
    %scan3A_122 = arith.constant 8 : i32
    %swap3A = arith.constant 0 : index
    %swap3A_123 = tpu.vector_load %arg12[%swap3A] {strides = array<i32>} : memref<16xf32, #tpu.memory_space<vmem>>, vector<16xf32>,
    tpu.vector_store %arg12[%swap3A], %scan3A_121 {strides = array<i32>} : memref<16xf32, #tpu.memory_space<vmem>>, vector<16xf32>,
    "tpu.region"() ({
      %run_scoped3A = tpu.sem_alloc : memref<!tpu.dma_semaphore, #tpu.memory_space<semaphore_mem>>
      %dma_start3A_124 = arith.constant 0 : i32
      %dma_start3A_125 = tpu.memref_slice %arg7[%add3A, %dma_start3A_124] : memref<32x16xf32, #tpu.memory_space<hbm>> -> memref<1x16xf32, #tpu.memory_space<hbm>>
      %dma_start3A_126 = tpu.memref_squeeze %dma_start3A_125 : memref<1x16xf32, #tpu.memory_space<hbm>> -> memref<16xf32, #tpu.memory_space<hbm>>
      %dma_start3A_127 = arith.constant 0 : i32
      %dma_start3A_128 = tpu.memref_slice %arg7[%add3A, %dma_start3A_127] : memref<32x16xf32, #tpu.memory_space<hbm>> -> memref<1x16xf32, #tpu.memory_space<hbm>>
      %dma_start3A_129 = tpu.memref_squeeze %dma_start3A_128 : memref<1x16xf32, #tpu.memory_space<hbm>> -> memref<16xf32, #tpu.memory_space<hbm>>
      tpu.enqueue_dma source(%arg12 : memref<16xf32, #tpu.memory_space<vmem>>) target(%dma_start3A_129 : memref<16xf32, #tpu.memory_space<hbm>>) target_semaphore(%run_scoped3A : memref<!tpu.dma_semaphore, #tpu.memory_space<semaphore_mem>>)
      %dma_wait3A_130 = arith.constant 0 : i32
      %dma_wait3A_131 = tpu.memref_slice %arg7[%add3A, %dma_wait3A_130] : memref<32x16xf32, #tpu.memory_space<hbm>> -> memref<1x16xf32, #tpu.memory_space<hbm>>
      %dma_wait3A_132 = tpu.memref_squeeze %dma_wait3A_131 : memref<1x16xf32, #tpu.memory_space<hbm>> -> memref<16xf32, #tpu.memory_space<hbm>>
      %dma_wait3A_133 = arith.constant 0 : i32
      %dma_wait3A_134 = tpu.memref_slice %arg7[%add3A, %dma_wait3A_133] : memref<32x16xf32, #tpu.memory_space<hbm>> -> memref<1x16xf32, #tpu.memory_space<hbm>>
      %dma_wait3A_135 = tpu.memref_squeeze %dma_wait3A_134 : memref<1x16xf32, #tpu.memory_space<hbm>> -> memref<16xf32, #tpu.memory_space<hbm>>
      tpu.wait_dma2 semaphore(%run_scoped3A : memref<!tpu.dma_semaphore, #tpu.memory_space<semaphore_mem>>) src(%arg12 : memref<16xf32, #tpu.memory_space<vmem>>) dst(%dma_wait3A_135 : memref<16xf32, #tpu.memory_space<hbm>>)
      tpu.yield
    }) : () -> ()
    return
  }
}

</mosaic_0001>

<sc_bundles>
// kernel: kernel.3.cloned.1.call-start
scs
__scs_entry_jumppad:
0x0: {  	(pc) =	sbr.rel $0x88, $3  }
0x1: {  	(tag) =	ssettag $0x0;
	lr =	simm.s32 $0x1  }
0x2: {  	[smem:$0x3F9C] =	sst lr;
	_ =	strace $0xD0000000  }
0x3: {  	_ = 	snop  }
0x4: {  	_ = 	snop  }
0x5: {  	_ = 	snop  }
0x6: {  	_ = 	snop  }
0x7: {  	_ = 	snop  }
__scs_overlays_trampoline_lowered:
0x8: {  	[smem:$0x3FAB] =	sst s0  }
0x9: {  	[smem:$0x3FAC] =	sst s1  }
0xa: {  	[smem:$0x3FAD] =	sst s2  }
0xb: {  	[smem:$0x3FAE] =	sst s3  }
0xc: {  	[smem:$0x3FAF] =	sst s4  }
0xd: {  	[smem:$0x3FB0] =	sst s5  }
0xe: {  	[smem:$0x3FB1] =	sst s6  }
0xf: {  	[smem:$0x3FB2] =	sst s7  }
0x10: {  	[smem:$0x3FB3] =	sst s8  }
0x11: {  	[smem:$0x3FB4] =	sst s9;
	s0 =	simm.s32 @!p0 $0x0  }
0x12: {  	s1 =	sld [smem:$0x3F9A];
	s0 =	simm.s32 @p0 $0x1  }
0x13: {  	[smem:$0x3FB5] =	sst s0;
	s0 =	simm.s32 @!p1 $0x0  }
0x14: {  	s2 =	sld [smem:$0x3F99];
	s0 =	simm.s32 @p1 $0x1  }
0x15: {  	[smem:$0x3FB6] =	sst s0;
	s0 =	simm.s32 @!p2 $0x0  }
0x16: {  	s3 =	sld [smem:$0x3FDB];
	s0 =	simm.s32 @p2 $0x1  }
0x17: {  	s4 =	simm.s32 $0x1BF5;
	[smem:$0x3FB8] =	sst s0  }
0x18: {  	s0 =	sld [smem:$0x3F9B];
	_ =	swait.ge [sflag:s4], $0x0  }
0x19: {  	s7 =	sld [smem:$0x3F9C]  }
0x1a: {  	s8 =	sadd.s32 $0xFFFFE003, lr  }
0x1b: {  	s9 =	sadd.s32 $0xFFFFFEF7, lr;
	s5 =	simm.s32 $0xFFFFFFFF;
	p2 =	slt.u32 s8, $0xFFFFF086  }
0x1c: {  	p1 =	slt.u32 s9, $0xF7A;
	s5 =	simm.s32 @!p2 $0x0  }
0x1d: {  	s5 =	simm.s32 @p1 $0x1;
	p0 =	seq.s32 s7, s2  }
0x1e: {  	s7 =	smul.u32 @!p0 $0xF7A, s2;
	p2 =	seq.s32 @!p0 s5, $0x0  }
0x1f: {  	s9 =	smul.u32 $0xF7A, s1;
	s8 =	simm.s32 @!p0 $0x1BF5;
	p2 =	por !p2, p0  }
0x20: {  	[sflag:s8] =	ssyncset.s32 @!p0 $0xFFFFF086;
	s6 =	sadd.s32 @!p0 s3, s7;
	s7 =	simm.s32 @!p0 $0x108  }
0x21: {  	s3 =	sadd.s32 s3, s9;
	s6 =	sadd.s32 @!p0 $0x88, s6;
	s7 =	simm.s32 @p2 $0x1082  }
0x22: {  	[simem:s7], [sflag:s8] =	dma.local @!p0 [hbm:s6], $0xF7A  }
0x23: {  	s9 =	sor.u32 $0xD0000000, s2;
	s6 =	simm.s32 $0x108;
	_ =	swait.ge @!p0 [sflag:s8], $0x0  }
0x24: {  	s3 =	sadd.s32 $0x88, s3;
	s6 =	simm.s32 @!p1 $0x1082;
	[sflag:s4] =	ssyncset.s32 $0xFFFFF086  }
0x25: {  	[simem:s6], [sflag:s4] =	dma.local [hbm:s3], $0xF7A  }
0x26: {  	[smem:$0x3F9C] =	sst s1;
	(tag) =	ssettag s2;
	_ =	strace s9  }
0x27: {  	s1 =	sld [smem:$0x3FAC]  }
0x28: {  	s2 =	sld [smem:$0x3FAD]  }
0x29: {  	s4 =	sld [smem:$0x3FAF]  }
0x2a: {  	p0 =	seq.s32 s5, $0x0;
	s5 =	sld [smem:$0x3FB0]  }
0x2b: {  	s6 =	sld [smem:$0x3FB1]  }
0x2c: {  	s7 =	sld [smem:$0x3FB2]  }
0x2d: {  	s3 =	simm.s32 $0x108;
	s8 =	sld [smem:$0x3FB3]  }
0x2e: {  	s3 =	simm.s32 @!p0 $0x1082;
	s9 =	sld [smem:$0x3FB4]  }
0x2f: {  	lr =	sadd.s32 s0, s3;
	s0 =	sld [smem:$0x3FAB]  }
0x30: {  	s3 =	sld [smem:$0x3FAE]  }
0x31: {  	[smem:$0x3FB7] =	sst s10  }
0x32: {  	s10 =	sld [smem:$0x3FB5];
	_ =	sdelay $0x3  }
0x33: {  	p0 =	seq.s32 s10, $0x1;
	s10 =	sld [smem:$0x3FB7];
	_ =	sdelay $0x3  }
0x34: {  	[smem:$0x3FB7] =	sst s10  }
0x35: {  	s10 =	sld [smem:$0x3FB6];
	_ =	sdelay $0x3  }
0x36: {  	p1 =	seq.s32 s10, $0x1;
	s10 =	sld [smem:$0x3FB7];
	_ =	sdelay $0x3  }
0x37: {  	[smem:$0x3FB7] =	sst s10  }
0x38: {  	s10 =	sld [smem:$0x3FB8]  }
0x39: {  	_ = 	snop;
	(pc) =	sbr.ind lr, $3  }
0x3a: {  	_ = 	snop  }
0x3b: {  	_ = 	snop  }
0x3c: {  	p2 =	seq.s32 s10, $0x1;
	s10 =	sld [smem:$0x3FB7]  }
0x3d: {  	_ =	shalt  }
0x3e: {  	_ =	shalt  }
0x3f: {  	_ =	shalt  }
0x40: {  	_ =	shalt  }
0x41: {  	_ =	shalt  }
0x42: {  	_ =	shalt  }
0x43: {  	_ =	shalt  }
0x44: {  	_ =	shalt  }
0x45: {  	_ =	shalt  }
0x46: {  	_ =	shalt  }
0x47: {  	_ =	shalt  }
0x48: {  	_ =	shalt  }
0x49: {  	_ =	shalt  }
0x4a: {  	_ =	shalt  }
0x4b: {  	_ =	shalt  }
0x4c: {  	_ =	shalt  }
0x4d: {  	_ =	shalt  }
0x4e: {  	_ =	shalt  }
0x4f: {  	_ =	shalt  }
0x50: {  	_ =	shalt  }
0x51: {  	_ =	shalt  }
0x52: {  	_ =	shalt  }
0x53: {  	_ =	shalt  }
0x54: {  	_ =	shalt  }
0x55: {  	_ =	shalt  }
0x56: {  	_ =	shalt  }
0x57: {  	_ =	shalt  }
0x58: {  	_ =	shalt  }
0x59: {  	_ =	shalt  }
0x5a: {  	_ =	shalt  }
0x5b: {  	_ =	shalt  }
0x5c: {  	_ =	shalt  }
0x5d: {  	_ =	shalt  }
0x5e: {  	_ =	shalt  }
0x5f: {  	_ =	shalt  }
0x60: {  	_ =	shalt  }
0x61: {  	_ =	shalt  }
0x62: {  	_ =	shalt  }
0x63: {  	_ =	shalt  }
0x64: {  	_ =	shalt  }
0x65: {  	_ =	shalt  }
0x66: {  	_ =	shalt  }
0x67: {  	_ =	shalt  }
0x68: {  	_ =	shalt  }
0x69: {  	_ =	shalt  }
0x6a: {  	_ =	shalt  }
0x6b: {  	_ =	shalt  }
0x6c: {  	_ =	shalt  }
0x6d: {  	_ =	shalt  }
0x6e: {  	_ =	shalt  }
0x6f: {  	_ =	shalt  }
0x70: {  	_ =	shalt  }
0x71: {  	_ =	shalt  }
0x72: {  	_ =	shalt  }
0x73: {  	_ =	shalt  }
0x74: {  	_ =	shalt  }
0x75: {  	_ =	shalt  }
0x76: {  	_ =	shalt  }
0x77: {  	_ =	shalt  }
0x78: {  	_ =	shalt  }
0x79: {  	_ =	shalt  }
0x7a: {  	_ =	shalt  }
0x7b: {  	_ =	shalt  }
0x7c: {  	_ =	shalt  }
0x7d: {  	_ =	shalt  }
0x7e: {  	_ =	shalt  }
0x7f: {  	_ =	shalt  }
0x80: {  	_ =	shalt  }
0x81: {  	_ =	shalt  }
0x82: {  	_ =	shalt  }
0x83: {  	_ =	shalt  }
0x84: {  	_ =	shalt  }
0x85: {  	_ =	shalt  }
0x86: {  	_ =	shalt  }
0x87: {  	_ =	shalt  }
.Lfunc_end0:
.L_simem_size_0:
called_computation_lowered:
.L_overlay_start_0:
0x88: {  	s2 =	sld [smem:$0x3FD9]  }
0x89: {  	s3 =	sld [smem:$0x3FFE];
	_ =	sdelay $0x1  }
0x8a: {  	s1 =	srdreg.scid  }
0x8b: {  	s0 =	sand.u32 $0x1, s1  }
0x8c: {  	s17 =	sshll.u32 s0, $0xA;
	s2 =	sadd.s32 s3, s2  }
0x8d: {  	s2 =	sadd.s32 s2, s17  }
0x8e: {  	[smem:$0x3FC3] =	sst s2  }
0x8f: {  	_ = 	snop  }
0x90: {  	s2 =	sld [smem:$0x3FC9]  }
0x91: {  	s18 =	sld [smem:$0x3FC8]  }
0x92: {  	s4 =	sld [smem:$0x3FC7]  }
0x93: {  	s5 =	sld [smem:$0x3FC6]  }
0x94: {  	s6 =	sld [smem:$0x3FC5];
	(tm) =	ssettm $0x1  }
0x95: {  	s7 =	sld [smem:$0x3FFB];
	_ =	sdelay $0x3  }
0x96: {  	_ =	strace s7  }
0x97: {  	s7 =	sld [smem:$0x3FFC];
	_ =	sdelay $0x3  }
0x98: {  	_ =	strace s7  }
0x99: {  	s7 =	sld [smem:$0x3FFD];
	_ =	sdelay $0x3  }
0x9a: {  	_ =	strace s7  }
0x9b: {  	_ =	strace $0x8FFFFFFF  }
0x9c: {  	s19 =	sld [smem:$0x3FDB];
	_ =	sdelay $0x1  }
0x9d: {  	s8 =	simm.s32 $_scs_section_size  }
0x9e: {  	s9 =	simm.s32 $_size__tile_overlayer_lowered;
	s10 =	simm.s32 $_tile_overlayer_lowered  }
0x9f: {  	s22 =	simm.s32 $0x1BFF;
	s21 =	sshll.u32 s10, $0x1;
	s7 =	sadd.s32 s8, s19  }
0xa0: {  	s11 =	simm.s32 $0x0;
	s20 =	sshll.u32 s9, $0x1;
	s9 =	sadd.s32 s21, s7  }
0xa1: {  	[timem:s11], [sflag:s22] =	dma.local [hbm:s9], s20  }
0xa2: {  	_ =	swait.ge [sflag:s22], s20  }
0xa3: {  	s8 =	ssub.s32 $0x0, s20;
	[sflag:s22] =	ssyncset.done $0x0  }
0xa4: {  	[sflag:s22] =	ssyncadd.s32 s8;
	_ =	sdelay $0x1  }
0xa5: {  	s23 =	simm.s32 $0x1B8B  }
0xa6: {  	_ =	swait.ge [sflag:s23], $0x1  }
0xa7: {  	[sflag:s23] =	ssyncset.done $0x0  }
0xa8: {  	s25 =	simm.s32 $0x1B8E;
	s24 =	sld [smem:$0x3FFE];
	[sflag:s23] =	ssyncadd.s32 $0xFFFFFFFF  }
0xa9: {  	s26 =	simm.s32 $execute0_lowered;
	[smem:$0x3FD2] =	sst s25  }
0xaa: {  	s9 =	sshll.u32 s26, $0x1;
	_ =	strace $0x80000046;
	[dreg:$0x1] =	wrdreg $0xFFFFFFFF  }
0xab: {  	s28 =	simm.s32 $_size_execute0_lowered;
	s7 =	sadd.s32 s7, s9;
	[dreg:$0x0] =	wrdreg $0x0  }
0xac: {  	s9 =	sshll.u32 s28, $0x1;
	[dreg:$0x2] =	wrdreg s7  }
0xad: {  	[dreg:$0x3] =	wrdreg s9  }
0xae: {  	[dreg:$0x4] =	wrdreg $0xC0  }
0xaf: {  	_ =	task [dreg:s11], $0x5FFFF  }
0xb0: {  	[dreg:$0x1] =	wrdreg $0xFFFFFFFF  }
0xb1: {  	[dreg:$0x0] =	wrdreg $0x60  }
0xb2: {  	[dreg:$0x2] =	wrdreg s2  }
0xb3: {  	[dreg:$0x3] =	wrdreg s4  }
0xb4: {  	[dreg:$0x4] =	wrdreg s5  }
0xb5: {  	[dreg:$0x5] =	wrdreg s18  }
0xb6: {  	[dreg:$0x6] =	wrdreg s6  }
0xb7: {  	[dreg:$0x7] =	wrdreg s24  }
0xb8: {  	[dreg:$0x8] =	wrdreg $0x9  }
0xb9: {  	_ =	task.clear_ibuf [dreg:s11], $0x9FFFF;
	_ =	strace $0x90000046  }
0xba: {  	s29 =	simm.s32 $0x9;
	_ =	strace $0x80000048  }
0xbb: {  	_ =	swait.ge [sflag:s29], $0x1  }
0xbc: {  	[sflag:s29] =	ssyncadd.s32 $0xFFFFFFFF  }
0xbd: {  	_ =	strace $0x90000048  }
0xbe: {  	_ =	sfence  }
0xbf: {  	s30 =	sld [smem:$0x0];
	_ =	sdelay $0x2  }
0xc0: {  	s31 =	sshll.u32 s1, $0xD;
	s1 =	sshrl.u32 s1, $0x2  }
0xc1: {  	s3 =	sand.u32 $0x4000, s31;
	s1 =	sadd.s32 s1, s30  }
0xc2: {  	s0 =	sor.u32 s3, s0;
	s1 =	sshll.u32 s1, $0x11  }
0xc3: {  	s0 =	sor.u32 s1, s0  }
0xc4: {  	s0 =	sadd.s32 $0x8F2B, s0  }
0xc5: {  	[sflag:s0] =	ssyncadd.remote.s32 $0x1  }
0xc6: {  	_ =	sfence.sel $0xFFFF  }
0xc7: {  	[dreg:$0x0] =	wrdreg $0xFFFFFFFF;
	(pc) =	sbr.abs _section_cstart, $3  }
0xc8: {  	[dreg:$0x1] =	wrdreg $0xFFFFFFFF  }
0xc9: {  	_ =	task.clear_ibuf [dreg:s11], $0x2FFFF;
	_ =	strace $0x9FFFFFFF  }
0xca: {  	(tm) =	ssettm $0x7FFFFFFF  }
0xcb: {  	_ =	shalt  }
tec
execute0_lowered:
.L_overlay_start_1:
0x0: {  	(tag) =	ssettag $0x1  }
0x1: {  	s7 =	rddreg [dreg:$0x0]  }
0x2: {  	s5 =	rddreg [dreg:$0x1]  }
0x3: {  	s6 =	rddreg [dreg:$0x2]  }
0x4: {  	s1 =	rddreg [dreg:$0x3]  }
0x5: {  	s3 =	rddreg [dreg:$0x4]  }
0x6: {  	s8 =	rddreg [dreg:$0x5]  }
0x7: {  	s0 =	rddreg [dreg:$0x6]  }
0x8: {  	s9 =	srdreg.scid;
	s2 =	stileid.u32  }
0x9: {  	s4 =	simm.s32 $0x0;
	s13 =	simm.s32 $0x1;
	s14 =	simm.s32 $0x2  }
0xa: {  	s15 =	simm.s32 $0x3;
	s16 =	simm.s32 $0x480;
	s17 =	simm.s32 $0x4  }
0xb: {  	s18 =	simm.s32 $0x5;
	s19 =	simm.s32 $0x6;
	s20 =	simm.s32 $0x10480  }
0xc: {  	v0 =	vimm.s32 $0x7;
	v1 =	vlaneseq.u32;
	s21 =	simm.s32 $0x7;
	s22 =	simm.s32 $0x0;
	s9 =	sand.u32 $0x1, s9  }
0xd: {  	v2 =	vimm.s32 $0x0;
	vm0 =	vmmov $0x1;
	v4 =	vimm.s32 $0x1;
	s10 =	sshll.u32 s2, $0x1;
	[smem:$0x7FF] =	sst s4;
	s11 =	ssub.s32 $0x2, s9  }
0xe: {  	v5 =	vimm.s32 $0x2;
	v6 =	vimm.s32 $0x3;
	v7 =	vimm.s32 $0x4;
	s9 =	sor.u32 s9, s10;
	_ =	strace $0x80000047;
	s30 =	sshrl.u32 s11, $0x1  }
0xf: {  	v8 =	vimm.s32 $0x5;
	v9 =	vimm.s32 $0x6;
	v10 =	vimm.s32 $0x8;
	s12 =	sshll.u32 s9, $0x6;
	s31 =	sshll.u32 s9, $0x9;
	s9 =	sshll.u32 s9, $0x4  }
0x10: {  	v11 =	vimm.s32 $0x9;
	v12 =	vimm.s32 $0xA;
	v13 =	vimm.s32 $0xB;
	s10 =	ssub.s32 s11, s30;
	s5 =	sadd.s32 s5, s12;
	s6 =	sadd.s32 s6, s12  }
0x11: {  	v14 =	vimm.s32 $0xC;
	v15 =	vimm.s32 $0xD;
	v16 =	vimm.s32 $0xE;
	s7 =	sadd.s32 s7, s31;
	s8 =	sadd.s32 s8, s9;
	s11 =	simm.s32 $0x400  }
0x12: {  	v17 =	vimm.s32 $0xF;
	v3 =	vmul.u32 $0x8, v1;
	v18 =	vmul.u32 $0x81, v1;
	s12 =	simm.s32 $0x408;
	s9 =	smax.u32 s10, $0x1;
	s10 =	simm.s32 $0x200  }
.LBB2_1:
0x13: {  	[tilespmem:s4], [sflag:$0x1] =	stream.linear.gather [hbm4b:s5+s4], $0x200, $0x38;
	[tilespmem:$0x10500] =	vst v63  }
0x14: {  	_ = 	snop  }
0x15: {  	[tilespmem:s10], [sflag:$0x2] =	stream.linear.gather [hbm4b:s6+s4], $0x200, $0x38;
	[tilespmem:$0x10500] =	vst v63  }
0x16: {  	_ = 	snop  }
0x17: {  	[tilespmem:s11], [sflag:$0x2] =	stream.linear.gather [hbm4b:s1+s4], $0x1, $0x38;
	[tilespmem:$0x10500] =	vst v63  }
0x18: {  	_ = 	snop  }
0x19: {  	[tilespmem:s12], [sflag:$0x2] =	stream.linear.gather [hbm4b:s3+s4], $0x1, $0x38;
	[tilespmem:$0x10500] =	vst v63  }
0x1a: {  	_ =	swait.ge [sflag:s13], $0x200  }
0x1b: {  	[sflag:s13] =	ssyncset.done $0x0  }
0x1c: {  	[sflag:s13] =	ssyncadd.s32 $0xFFFFFE00  }
0x1d: {  	v19 =	vld [tilespmem:s4+$0x0];
	_ =	sdelay $0x4  }
0x1e: {  	v20 =	vshll.u32 v19, $0x7  }
0x1f: {  	v19 =	vand.u32 $0x7, v19;
	v20 =	vand.u32 $0xFFFFFC00, v20  }
0x20: {  	v19 =	vor.u32 v19, v20  }
0x21: {  	v20 =	vperm.xlane v19, v2;
	_ =	sdelay $0x1  }
0x22: {  	v21 =	vperm.xlane v19, v4;
	v20 =	vadd.s32 v3, v20;
	_ =	sdelay $0x1  }
0x23: {  	v22 =	vperm.xlane v19, v5;
	v21 =	vadd.s32 v3, v21;
	_ =	sdelay $0x1  }
0x24: {  	s23 =	simm.s32 $0x3;
	s25 =	simm.s32 $0x480;
	s24 =	sadd.s32 $0x0, s7;
	v23 =	vperm.xlane v19, v6;
	v22 =	vadd.s32 v3, v22  }
0x25: {  	[tilespmem:s25], [sflag:s23] =	stream.indirect_vreg.gather [hbm4b:s24+s4], $0x80, v20, vm0, $0xb8;
	[tilespmem:$0x10500] =	vst v63  }
0x26: {  	s30 =	simm.s32 $0x500;
	v23 =	vadd.s32 v3, v23;
	v20 =	vperm.xlane v19, v7  }
0x27: {  	[tilespmem:s30], [sflag:s23] =	stream.indirect_vreg.gather [hbm4b:s24+s4], $0x80, v21, vm0, $0xb8;
	[tilespmem:$0x10500] =	vst v63  }
0x28: {  	s31 =	simm.s32 $0x580;
	v56 =	vperm.xlane v19, v8;
	v20 =	vadd.s32 v3, v20  }
0x29: {  	[tilespmem:s31], [sflag:s23] =	stream.indirect_vreg.gather [hbm4b:s24+s4], $0x80, v22, vm0, $0xb8;
	[tilespmem:$0x10500] =	vst v63  }
0x2a: {  	s26 =	simm.s32 $0x600;
	v57 =	vperm.xlane v19, v9;
	v21 =	vadd.s32 v3, v56  }
0x2b: {  	[tilespmem:s26], [sflag:s23] =	stream.indirect_vreg.gather [hbm4b:s24+s4], $0x80, v23, vm0, $0xb8;
	[tilespmem:$0x10500] =	vst v63  }
0x2c: {  	v58 =	vperm.xlane v19, v0;
	s30 =	simm.s32 $0x680;
	v22 =	vadd.s32 v3, v57  }
0x2d: {  	[tilespmem:s30], [sflag:s23] =	stream.indirect_vreg.gather [hbm4b:s24+s4], $0x80, v20, vm0, $0xb8;
	[tilespmem:$0x10500] =	vst v63  }
0x2e: {  	s31 =	simm.s32 $0x700;
	v23 =	vadd.s32 v3, v58;
	v20 =	vperm.xlane v19, v10  }
0x2f: {  	[tilespmem:s31], [sflag:s23] =	stream.indirect_vreg.gather [hbm4b:s24+s4], $0x80, v21, vm0, $0xb8;
	[tilespmem:$0x10500] =	vst v63  }
0x30: {  	v59 =	vperm.xlane v19, v11;
	s26 =	simm.s32 $0x780;
	v20 =	vadd.s32 v3, v20  }
0x31: {  	[tilespmem:s26], [sflag:s23] =	stream.indirect_vreg.gather [hbm4b:s24+s4], $0x80, v22, vm0, $0xb8;
	[tilespmem:$0x10500] =	vst v63  }
0x32: {  	v60 =	vperm.xlane v19, v12;
	s30 =	simm.s32 $0x800;
	v21 =	vadd.s32 v3, v59  }
0x33: {  	[tilespmem:s30], [sflag:s23] =	stream.indirect_vreg.gather [hbm4b:s24+s4], $0x80, v23, vm0, $0xb8;
	[tilespmem:$0x10500] =	vst v63  }
0x34: {  	v61 =	vperm.xlane v19, v13;
	s31 =	simm.s32 $0x880;
	v22 =	vadd.s32 v3, v60  }
0x35: {  	[tilespmem:s31], [sflag:s23] =	stream.indirect_vreg.gather [hbm4b:s24+s4], $0x80, v20, vm0, $0xb8;
	[tilespmem:$0x10500] =	vst v63  }
0x36: {  	s26 =	simm.s32 $0x900;
	v23 =	vadd.s32 v3, v61;
	v20 =	vperm.xlane v19, v14  }
0x37: {  	[tilespmem:s26], [sflag:s23] =	stream.indirect_vreg.gather [hbm4b:s24+s4], $0x80, v21, vm0, $0xb8;
	[tilespmem:$0x10500] =	vst v63  }
0x38: {  	v62 =	vperm.xlane v19, v15;
	s30 =	simm.s32 $0x980;
	v20 =	vadd.s32 v3, v20  }
0x39: {  	[tilespmem:s30], [sflag:s23] =	stream.indirect_vreg.gather [hbm4b:s24+s4], $0x80, v22, vm0, $0xb8;
	[tilespmem:$0x10500] =	vst v63  }
0x3a: {  	v63 =	vperm.xlane v19, v16;
	s31 =	simm.s32 $0xA00;
	v21 =	vadd.s32 v3, v62  }
0x3b: {  	v19 =	vperm.xlane v19, v17;
	[tilespmem:s31], [sflag:s23] =	stream.indirect_vreg.gather [hbm4b:s24+s4], $0x80, v23, vm0, $0xb8;
	[tilespmem:$0x10500] =	vst v63  }
0x3c: {  	s26 =	simm.s32 $0xA80;
	v22 =	vadd.s32 v3, v63  }
0x3d: {  	v19 =	vadd.s32 v3, v19;
	[tilespmem:s26], [sflag:s23] =	stream.indirect_vreg.gather [hbm4b:s24+s4], $0x80, v20, vm0, $0xb8;
	[tilespmem:$0x10500] =	vst v63  }
0x3e: {  	s29 =	simm.s32 $0xC00;
	s28 =	simm.s32 $0x10;
	s30 =	simm.s32 $0xB00  }
0x3f: {  	[tilespmem:s30], [sflag:s23] =	stream.indirect_vreg.gather [hbm4b:s24+s4], $0x80, v21, vm0, $0xb8;
	[tilespmem:$0x10500] =	vst v63  }
0x40: {  	s25 =	simm.s32 $0x2000;
	s31 =	simm.s32 $0xB80;
	s26 =	simm.s32 $0x1  }
0x41: {  	[tilespmem:s31], [sflag:s23] =	stream.indirect_vreg.gather [hbm4b:s24+s4], $0x80, v22, vm0, $0xb8;
	[tilespmem:$0x10500] =	vst v63  }
.LBB2_2:
0x42: {  	[tilespmem:s29], [sflag:s23] =	stream.indirect_vreg.gather [hbm4b:s24+s4], $0x80, v19, vm0, $0xb8;
	[tilespmem:$0x10500] =	vst v63  }
0x43: {  	p0 =	sne.s32 s25, $0x3E000;
	s23 =	smov.u32 s25;
	s25 =	sadd.s32 $0x2000, s25;
	v19 =	vld [tilespmem:s28+$0x0]  }
0x44: {  	_ =	sdelay $0x3  }
0x45: {  	v20 =	vshll.u32 v19, $0x7  }
0x46: {  	v19 =	vand.u32 $0x7, v19;
	v20 =	vand.u32 $0xFFFFFC00, v20  }
0x47: {  	v19 =	vor.u32 v19, v20  }
0x48: {  	v20 =	vperm.xlane v19, v2;
	v21 =	vperm.xlane v19, v4  }
0x49: {  	v22 =	vperm.xlane v19, v5;
	v23 =	vperm.xlane v19, v6  }
0x4a: {  	v24 =	vperm.xlane v19, v7;
	v25 =	vperm.xlane v19, v8;
	v20 =	vadd.s32 v3, v20  }
0x4b: {  	v26 =	vperm.xlane v19, v9;
	v27 =	vperm.xlane v19, v0  }
0x4c: {  	s24 =	sshrl.u32 s26, $0x3;
	v28 =	vperm.xlane v19, v10;
	v29 =	vperm.xlane v19, v11;
	v21 =	vadd.s32 v3, v21  }
0x4d: {  	s29 =	sshra.s32 s23, $0x2;
	s30 =	sshll.u32 s24, $0x7;
	v30 =	vperm.xlane v19, v12;
	v31 =	vperm.xlane v19, v13  }
0x4e: {  	s23 =	sadd.s32 $0x3, s24;
	s31 =	sadd.s32 $0x480, s29;
	s24 =	sadd.s32 s30, s7;
	v32 =	vperm.xlane v19, v14;
	v33 =	vperm.xlane v19, v15;
	v22 =	vadd.s32 v3, v22  }
0x4f: {  	[tilespmem:s31], [sflag:s23] =	stream.indirect_vreg.gather [hbm4b:s24+s4], $0x80, v20, vm0, $0xb8;
	v20 =	vperm.xlane v19, v16;
	v19 =	vperm.xlane v19, v17;
	[tilespmem:$0x10500] =	vst v63  }
0x50: {  	s30 =	sadd.s32 $0x500, s29;
	v23 =	vadd.s32 v3, v23  }
0x51: {  	[tilespmem:s30], [sflag:s23] =	stream.indirect_vreg.gather [hbm4b:s24+s4], $0x80, v21, vm0, $0xb8;
	[tilespmem:$0x10500] =	vst v63  }
0x52: {  	s30 =	sadd.s32 $0x580, s29;
	v21 =	vadd.s32 v3, v24  }
0x53: {  	[tilespmem:s30], [sflag:s23] =	stream.indirect_vreg.gather [hbm4b:s24+s4], $0x80, v22, vm0, $0xb8;
	[tilespmem:$0x10500] =	vst v63  }
0x54: {  	s30 =	sadd.s32 $0x600, s29;
	v22 =	vadd.s32 v3, v25  }
0x55: {  	[tilespmem:s30], [sflag:s23] =	stream.indirect_vreg.gather [hbm4b:s24+s4], $0x80, v23, vm0, $0xb8;
	[tilespmem:$0x10500] =	vst v63  }
0x56: {  	s30 =	sadd.s32 $0x680, s29;
	v23 =	vadd.s32 v3, v26  }
0x57: {  	[tilespmem:s30], [sflag:s23] =	stream.indirect_vreg.gather [hbm4b:s24+s4], $0x80, v21, vm0, $0xb8;
	[tilespmem:$0x10500] =	vst v63  }
0x58: {  	s30 =	sadd.s32 $0x700, s29;
	v21 =	vadd.s32 v3, v27  }
0x59: {  	[tilespmem:s30], [sflag:s23] =	stream.indirect_vreg.gather [hbm4b:s24+s4], $0x80, v22, vm0, $0xb8;
	[tilespmem:$0x10500] =	vst v63  }
0x5a: {  	s30 =	sadd.s32 $0x780, s29;
	v22 =	vadd.s32 v3, v28  }
0x5b: {  	[tilespmem:s30], [sflag:s23] =	stream.indirect_vreg.gather [hbm4b:s24+s4], $0x80, v23, vm0, $0xb8;
	[tilespmem:$0x10500] =	vst v63  }
0x5c: {  	s30 =	sadd.s32 $0x800, s29;
	v23 =	vadd.s32 v3, v29  }
0x5d: {  	[tilespmem:s30], [sflag:s23] =	stream.indirect_vreg.gather [hbm4b:s24+s4], $0x80, v21, vm0, $0xb8;
	[tilespmem:$0x10500] =	vst v63  }
0x5e: {  	s30 =	sadd.s32 $0x880, s29;
	v21 =	vadd.s32 v3, v30  }
0x5f: {  	[tilespmem:s30], [sflag:s23] =	stream.indirect_vreg.gather [hbm4b:s24+s4], $0x80, v22, vm0, $0xb8;
	[tilespmem:$0x10500] =	vst v63  }
0x60: {  	s30 =	sadd.s32 $0x900, s29;
	v22 =	vadd.s32 v3, v31  }
0x61: {  	[tilespmem:s30], [sflag:s23] =	stream.indirect_vreg.gather [hbm4b:s24+s4], $0x80, v23, vm0, $0xb8;
	[tilespmem:$0x10500] =	vst v63  }
0x62: {  	s30 =	sadd.s32 $0x980, s29;
	v23 =	vadd.s32 v3, v32  }
0x63: {  	[tilespmem:s30], [sflag:s23] =	stream.indirect_vreg.gather [hbm4b:s24+s4], $0x80, v21, vm0, $0xb8;
	[tilespmem:$0x10500] =	vst v63  }
0x64: {  	s30 =	sadd.s32 $0xA00, s29;
	v21 =	vadd.s32 v3, v33  }
0x65: {  	[tilespmem:s30], [sflag:s23] =	stream.indirect_vreg.gather [hbm4b:s24+s4], $0x80, v22, vm0, $0xb8;
	[tilespmem:$0x10500] =	vst v63  }
0x66: {  	v20 =	vadd.s32 v3, v20;
	s30 =	sadd.s32 $0xA80, s29  }
0x67: {  	[tilespmem:s30], [sflag:s23] =	stream.indirect_vreg.gather [hbm4b:s24+s4], $0x80, v23, vm0, $0xb8;
	[tilespmem:$0x10500] =	vst v63  }
.Ltmp0:
0x68: {  	v19 =	vadd.s32 v3, v19;
	s30 =	sadd.s32 $0xB00, s29;
	(pc) =	sbr.rel @p0 .LBB2_2-.Ltmp0, $4  }
0x69: {  	[tilespmem:s30], [sflag:s23] =	stream.indirect_vreg.gather [hbm4b:s24+s4], $0x80, v21, vm0, $0xb8;
	[tilespmem:$0x10500] =	vst v63  }
0x6a: {  	s30 =	sadd.s32 $0xB80, s29  }
0x6b: {  	[tilespmem:s30], [sflag:s23] =	stream.indirect_vreg.gather [hbm4b:s24+s4], $0x80, v20, vm0, $0xb8;
	[tilespmem:$0x10500] =	vst v63  }
0x6c: {  	s26 =	sadd.s32 $0x1, s26;
	s28 =	sadd.s32 $0x10, s28;
	s29 =	sadd.s32 $0xC00, s29  }
0x6d: {  	_ =	sdelay $0x3  }
0x6e: {  	[tilespmem:s29], [sflag:s23] =	stream.indirect_vreg.gather [hbm4b:s24+s4], $0x80, v19, vm0, $0xb8;
	[tilespmem:$0x10500] =	vst v63  }
0x6f: {  	_ =	swait.ge [sflag:s14], $0x200  }
0x70: {  	[sflag:s14] =	ssyncset.done $0x0  }
0x71: {  	s25 =	simm.s32 $0x0;
	[sflag:s14] =	ssyncadd.s32 $0xFFFFFE00  }
0x72: {  	v19 =	vmov s25;
	_ =	swait.ge [sflag:s14], $0x1  }
0x73: {  	v19 =	vmul.u32 $0x81, v19;
	[sflag:s14] =	ssyncset.done $0x0  }
0x74: {  	[sflag:s14] =	ssyncadd.s32 $0xFFFFFFFF  }
0x75: {  	v20 =	vbroadcast v19, $0x0;
	_ =	swait.ge [sflag:s14], $0x1  }
0x76: {  	[sflag:s14] =	ssyncset.done $0x0  }
0x77: {  	v20 =	vadd.s32 v18, v20;
	[sflag:s14] =	ssyncadd.s32 $0xFFFFFFFF  }
0x78: {  	v19 =	vld.msk [tilespmem:s11+$0x0], $0xffff  }
0x79: {  	v22 =	vld.idx.msk [tilespmem:v10+s11+$0x0], $0xffff;
	_ =	swait.ge [sflag:s15], $0x4000  }
0x7a: {  	[sflag:s15] =	ssyncset.done $0x0  }
0x7b: {  	s26 =	simm.s32 $0x10;
	[sflag:s15] =	ssyncadd.s32 $0xFFFFC000  }
0x7c: {  	v27 =	vld.idx.msk [tilespmem:v20+s16+$0x0], $0xffff;
	v20 =	vmov s26  }
0x7d: {  	v20 =	vmul.u32 $0x81, v20;
	_ =	sdelay $0x1  }
0x7e: {  	v20 =	vbroadcast v20, $0x0;
	_ =	sdelay $0x1  }
0x7f: {  	v20 =	vadd.s32 v18, v20;
	_ =	sdelay $0x2  }
0x80: {  	(erf) = vrcp.f32 v27  }
0x81: {  	s28 =	simm.s32 $0x20  }
0x82: {  	v23 =	vld.idx.msk [tilespmem:v20+s16+$0x0], $0xffff;
	v20 =	vmov s28  }
0x83: {  	v20 =	vmul.u32 $0x81, v20;
	_ =	sdelay $0x1  }
0x84: {  	v20 =	vbroadcast v20, $0x0;
	_ =	sdelay $0x1  }
0x85: {  	v20 =	vadd.s32 v18, v20  }
0x86: {  	s29 =	simm.s32 $0x30  }
0x87: {  	v21 =	vmov s29;
	v24 =	vpop (erf);
	(erf) = vrcp.f32 v23  }
0x88: {  	v21 =	vmul.u32 $0x81, v21;
	v24 =	vmul.f32 v24, v19;
	_ =	sdelay $0x1  }
0x89: {  	v21 =	vbroadcast v21, $0x0;
	(erf) = vrcp.f32 v24;
	v24 =	vld.idx.msk [tilespmem:v20+s16+$0x0], $0xffff;
	_ =	sdelay $0x1  }
0x8a: {  	v21 =	vadd.s32 v18, v21  }
0x8b: {  	s30 =	simm.s32 $0x40  }
0x8c: {  	v20 =	vmov s30  }
0x8d: {  	v25 =	vmul.u32 $0x81, v20;
	(erf) = vrcp.f32 v24  }
0x8e: {  	v20 =	vmul.f32 v22, v19;
	v22 =	vpop (erf)  }
0x8f: {  	v21 =	vld.idx.msk [tilespmem:v21+s16+$0x0], $0xffff;
	v22 =	vmul.f32 v22, v19  }
0x90: {  	v26 =	vbroadcast v25, $0x0  }
0x91: {  	s23 =	simm.s32 $0x200;
	v25 =	vpop (erf);
	(erf) = vrcp.f32 v22  }
0x92: {  	v22 =	vadd.s32 v18, v26;
	v26 =	vld [tilespmem:s23+$0x0]  }
0x93: {  	v29 =	vmul.f32 v25, v20  }
0x94: {  	s31 =	simm.s32 $0x50;
	(erf) = vrcp.f32 v21  }
0x95: {  	s24 =	simm.s32 $0x60;
	v28 =	vmov s31;
	v25 =	vimm.f32 $0.0e+00;
	v27 =	vadd.f32 v29, v27  }
.LBB2_4:
0x96: {  	p0 =	sne.s32 s24, $0x70;
	v28 =	vmul.u32 $0x81, v28;
	v29 =	vpop (erf);
	v30 =	vmov v21  }
0x97: {  	v21 =	vld.idx.msk [tilespmem:v22+s16+$0x0], $0xffff;
	v22 =	vmul.f32 v29, v19;
	v26 =	vmul.f32 v27, v26  }
0x98: {  	v28 =	vbroadcast v28, $0x0  }
.Ltmp1:
0x99: {  	s23 =	sadd.s32 $0x10, s23;
	(erf) = vrcp.f32 v22;
	v25 =	vadd.f32 v26, v25;
	(pc) =	sbr.rel @p0 .LBB2_4-.Ltmp1, $3  }
0x9a: {  	v22 =	vadd.s32 v18, v28;
	v26 =	vld [tilespmem:s23+$0x0];
	v27 =	vpop (erf)  }
0x9b: {  	v27 =	vmul.f32 v27, v20;
	_ =	sdelay $0x1  }
0x9c: {  	v28 =	vmov s24;
	s24 =	sadd.s32 $0x10, s24;
	(erf) = vrcp.f32 v21;
	v27 =	vadd.f32 v27, v23;
	v23 =	vmovc v24;
	v24 =	vmovc v30  }
0x9d: {  	v28 =	vmul.u32 $0x81, v28;
	_ =	sdelay $0x1  }
0x9e: {  	v28 =	vbroadcast v28, $0x0;
	_ =	sdelay $0x1  }
0x9f: {  	v28 =	vadd.s32 v18, v28;
	_ =	sdelay $0x2  }
0xa0: {  	v29 =	vld.idx.msk [tilespmem:v22+s16+$0x0], $0xffff  }
0xa1: {  	v22 =	vpop (erf)  }
0xa2: {  	v22 =	vmul.f32 v22, v19;
	v30 =	vpop (erf);
	v28 =	vld.idx.msk [tilespmem:v28+s16+$0x0], $0xffff  }
0xa3: {  	v31 =	vpop (erf)  }
0xa4: {  	(erf) = vrcp.f32 v22;
	v22 =	vmul.f32 v31, v19  }
0xa5: {  	(erf) = vrcp.f32 v29  }
0xa6: {  	(erf) = vrcp.f32 v22  }
0xa7: {  	(erf) = vrcp.f32 v28;
	_ =	sdelay $0x5  }
0xa8: {  	v31 =	vpop (erf)  }
0xa9: {  	v22 =	vpop (erf)  }
0xaa: {  	v32 =	vpop (erf)  }
0xab: {  	v22 =	vmul.f32 v22, v19;
	v33 =	vpop (erf)  }
0xac: {  	v33 =	vmul.f32 v33, v19  }
0xad: {  	(erf) = vrcp.f32 v22  }
0xae: {  	(erf) = vrcp.f32 v33;
	_ =	sdelay $0x4  }
0xaf: {  	s23 =	sadd.s32 $0x10, s23;
	s24 =	simm.s32 $0x80  }
0xb0: {  	v61 =	vld [tilespmem:s23+$0x0];
	s23 =	sadd.s32 $0x10, s23;
	v22 =	vor.u32 s24, v1  }
0xb1: {  	v34 =	vld [tilespmem:s23+$0x0];
	s23 =	sadd.s32 $0x10, s23;
	v36 =	vand.u32 $0x7F, v22;
	v22 =	vshll.u32 v22, $0x7  }
0xb2: {  	v35 =	vld [tilespmem:s23+$0x0];
	s23 =	sadd.s32 $0x10, s23;
	v22 =	vor.u32 v36, v22;
	v38 =	vpop (erf)  }
0xb3: {  	v37 =	vld [tilespmem:s23+$0x0];
	s23 =	sadd.s32 $0x10, s23;
	v39 =	vpop (erf)  }
0xb4: {  	v62 =	vld [tilespmem:s23+$0x0];
	_ =	swait.ge [sflag:s17], $0x4000  }
0xb5: {  	[sflag:s17] =	ssyncset.done $0x0  }
0xb6: {  	s26 =	simm.s32 $0x90;
	[sflag:s17] =	ssyncadd.s32 $0xFFFFC000  }
0xb7: {  	v40 =	vor.u32 s26, v1;
	v22 =	vld.idx.msk [tilespmem:v22+s16+$0x0], $0xffff  }
0xb8: {  	v41 =	vand.u32 $0x7F, v40;
	v40 =	vshll.u32 v40, $0x7  }
0xb9: {  	v40 =	vor.u32 v41, v40;
	v30 =	vmul.f32 v30, v20;
	_ =	sdelay $0x1  }
0xba: {  	v26 =	vmul.f32 v27, v26;
	v27 =	vadd.f32 v30, v23  }
0xbb: {  	(erf) = vrcp.f32 v22  }
0xbc: {  	v25 =	vadd.f32 v26, v25;
	v26 =	vmul.f32 v27, v61;
	v27 =	vmul.f32 v31, v20  }
0xbd: {  	s28 =	simm.s32 $0xA0;
	v23 =	vld.idx.msk [tilespmem:v40+s16+$0x0], $0xffff  }
0xbe: {  	v24 =	vadd.f32 v27, v24;
	v27 =	vor.u32 s28, v1  }
0xbf: {  	v30 =	vand.u32 $0x7F, v27;
	v27 =	vshll.u32 v27, $0x7  }
0xc0: {  	v27 =	vor.u32 v30, v27;
	_ =	sdelay $0x1  }
0xc1: {  	s29 =	simm.s32 $0xB0;
	v25 =	vadd.f32 v26, v25;
	(erf) = vrcp.f32 v23  }
0xc2: {  	v30 =	vor.u32 s29, v1;
	v24 =	vmul.f32 v24, v34;
	v26 =	vmul.f32 v32, v20  }
0xc3: {  	v63 =	vand.u32 $0x7F, v30;
	v30 =	vshll.u32 v30, $0x7;
	v31 =	vpop (erf)  }
0xc4: {  	v25 =	vadd.f32 v24, v25;
	v21 =	vadd.f32 v26, v21;
	v24 =	vld.idx.msk [tilespmem:v27+s16+$0x0], $0xffff;
	v31 =	vmul.f32 v31, v19  }
0xc5: {  	s30 =	simm.s32 $0xC0;
	v26 =	vor.u32 v63, v30;
	v30 =	vmul.f32 v38, v20  }
0xc6: {  	v21 =	vmul.f32 v21, v35;
	v27 =	vor.u32 s30, v1;
	(erf) = vrcp.f32 v31  }
0xc7: {  	v29 =	vadd.f32 v30, v29;
	v31 =	vand.u32 $0x7F, v27;
	v27 =	vshll.u32 v27, $0x7;
	_ =	sdelay $0x1  }
0xc8: {  	v21 =	vadd.f32 v21, v25;
	v29 =	vmul.f32 v29, v37;
	(erf) = vrcp.f32 v24  }
0xc9: {  	v30 =	vmul.f32 v39, v20;
	v25 =	vld.idx.msk [tilespmem:v26+s16+$0x0], $0xffff;
	v26 =	vor.u32 v31, v27;
	v27 =	vpop (erf)  }
0xca: {  	v21 =	vadd.f32 v29, v21;
	v29 =	vmul.f32 v27, v19  }
0xcb: {  	v28 =	vadd.f32 v30, v28;
	_ =	sdelay $0x1  }
0xcc: {  	v28 =	vmul.f32 v28, v62;
	(erf) = vrcp.f32 v29  }
0xcd: {  	s23 =	simm.s32 $0x280;
	v29 =	vpop (erf);
	(erf) = vrcp.f32 v25  }
0xce: {  	s31 =	simm.s32 $0xD0;
	v27 =	vadd.f32 v28, v21;
	v28 =	vld [tilespmem:s23+$0x0]  }
0xcf: {  	s24 =	simm.s32 $0xE0;
	v21 =	vor.u32 s31, v1;
	v26 =	vld.idx.msk [tilespmem:v26+s16+$0x0], $0xffff;
	v29 =	vmul.f32 v29, v20  }
.LBB2_6:
0xd0: {  	p0 =	sne.s32 s24, $0xF0;
	v30 =	vand.u32 $0x7F, v21;
	v21 =	vshll.u32 v21, $0x7;
	v31 =	vpop (erf)  }
0xd1: {  	v30 =	vor.u32 v30, v21;
	v21 =	vmul.f32 v31, v19;
	v29 =	vadd.f32 v29, v22;
	v22 =	vmovc v23  }
.Ltmp2:
0xd2: {  	v23 =	vmov v24;
	v24 =	vmov v25;
	(pc) =	sbr.rel @p0 .LBB2_6-.Ltmp2, $4  }
0xd3: {  	(erf) = vrcp.f32 v21;
	v21 =	vmul.f32 v29, v28  }
0xd4: {  	s23 =	sadd.s32 $0x10, s23  }
0xd5: {  	v25 =	vmov v26;
	(erf) = vrcp.f32 v26;
	v28 =	vld [tilespmem:s23+$0x0];
	v29 =	vpop (erf);
	v27 =	vadd.f32 v21, v27  }
0xd6: {  	v21 =	vor.u32 s24, v1;
	s24 =	sadd.s32 $0x10, s24;
	v26 =	vld.idx.msk [tilespmem:v30+s16+$0x0], $0xffff;
	v29 =	vmul.f32 v29, v20  }
0xd7: {  	v30 =	vand.u32 $0x7F, v21;
	v21 =	vshll.u32 v21, $0x7  }
0xd8: {  	v21 =	vor.u32 v30, v21;
	_ =	sdelay $0x3  }
0xd9: {  	v30 =	vpop (erf)  }
0xda: {  	v30 =	vmul.f32 v30, v19;
	v31 =	vpop (erf);
	v32 =	vld.idx.msk [tilespmem:v21+s16+$0x0], $0xffff  }
0xdb: {  	v21 =	vpop (erf)  }
0xdc: {  	(erf) = vrcp.f32 v30;
	v21 =	vmul.f32 v21, v19  }
0xdd: {  	(erf) = vrcp.f32 v26  }
0xde: {  	(erf) = vrcp.f32 v21  }
0xdf: {  	(erf) = vrcp.f32 v32;
	_ =	sdelay $0x5  }
0xe0: {  	v30 =	vpop (erf)  }
0xe1: {  	v21 =	vpop (erf)  }
0xe2: {  	v33 =	vpop (erf)  }
0xe3: {  	v21 =	vmul.f32 v21, v19;
	v34 =	vpop (erf)  }
0xe4: {  	v34 =	vmul.f32 v34, v19  }
0xe5: {  	(erf) = vrcp.f32 v21  }
0xe6: {  	(erf) = vrcp.f32 v34;
	_ =	sdelay $0x4  }
0xe7: {  	s23 =	sadd.s32 $0x10, s23;
	s24 =	simm.s32 $0x100  }
0xe8: {  	v62 =	vld [tilespmem:s23+$0x0];
	s23 =	sadd.s32 $0x10, s23;
	v21 =	vor.u32 s24, v1  }
0xe9: {  	v35 =	vld [tilespmem:s23+$0x0];
	s23 =	sadd.s32 $0x10, s23;
	v37 =	vand.u32 $0x7F, v21;
	v21 =	vshll.u32 v21, $0x7  }
0xea: {  	v36 =	vld [tilespmem:s23+$0x0];
	s23 =	sadd.s32 $0x10, s23;
	v21 =	vor.u32 v37, v21;
	v39 =	vpop (erf)  }
0xeb: {  	v38 =	vld [tilespmem:s23+$0x0];
	s23 =	sadd.s32 $0x10, s23;
	v40 =	vpop (erf)  }
0xec: {  	v63 =	vld [tilespmem:s23+$0x0];
	_ =	swait.ge [sflag:s18], $0x4000  }
0xed: {  	[sflag:s18] =	ssyncset.done $0x0  }
0xee: {  	[sflag:s18] =	ssyncadd.s32 $0xFFFFC000  }
0xef: {  	s26 =	simm.s32 $0x110;
	v21 =	vld.idx.msk [tilespmem:v21+s16+$0x0], $0xffff  }
0xf0: {  	v41 =	vor.u32 s26, v1  }
0xf1: {  	v22 =	vadd.f32 v29, v22;
	v42 =	vand.u32 $0x7F, v41;
	v41 =	vshll.u32 v41, $0x7  }
0xf2: {  	v41 =	vor.u32 v42, v41  }
0xf3: {  	v28 =	vmul.f32 v22, v28  }
0xf4: {  	(erf) = vrcp.f32 v21  }
0xf5: {  	v27 =	vadd.f32 v28, v27;
	v29 =	vmul.f32 v31, v20;
	v28 =	vmul.f32 v30, v20  }
0xf6: {  	s28 =	simm.s32 $0x120  }
0xf7: {  	v23 =	vadd.f32 v29, v23;
	v24 =	vadd.f32 v28, v24;
	v28 =	vor.u32 s28, v1;
	v22 =	vld.idx.msk [tilespmem:v41+s16+$0x0], $0xffff  }
0xf8: {  	v29 =	vand.u32 $0x7F, v28;
	v28 =	vshll.u32 v28, $0x7  }
0xf9: {  	v23 =	vmul.f32 v23, v62;
	v28 =	vor.u32 v29, v28;
	_ =	sdelay $0x1  }
0xfa: {  	s29 =	simm.s32 $0x130;
	v23 =	vadd.f32 v23, v27  }
0xfb: {  	v29 =	vor.u32 s29, v1;
	v24 =	vmul.f32 v24, v35;
	(erf) = vrcp.f32 v22  }
0xfc: {  	v27 =	vmul.f32 v33, v20;
	v31 =	vand.u32 $0x7F, v29;
	v30 =	vpop (erf)  }
0xfd: {  	v29 =	vshll.u32 v29, $0x7;
	v23 =	vadd.f32 v24, v23;
	v24 =	vld.idx.msk [tilespmem:v28+s16+$0x0], $0xffff;
	v30 =	vmul.f32 v30, v19  }
0xfe: {  	v25 =	vadd.f32 v27, v25;
	v27 =	vor.u32 v31, v29  }
0xff: {  	(erf) = vrcp.f32 v30  }
0x100: {  	v29 =	vmul.f32 v39, v20  }
0x101: {  	v25 =	vmul.f32 v25, v36  }
0x102: {  	s30 =	simm.s32 $0x140;
	v26 =	vadd.f32 v29, v26;
	v29 =	vmul.f32 v40, v20;
	(erf) = vrcp.f32 v24  }
0x103: {  	v23 =	vadd.f32 v25, v23;
	v28 =	vor.u32 s30, v1;
	v25 =	vld.idx.msk [tilespmem:v27+s16+$0x0], $0xffff  }
0x104: {  	v29 =	vadd.f32 v29, v32;
	v27 =	vpop (erf);
	v30 =	vand.u32 $0x7F, v28;
	v28 =	vshll.u32 v28, $0x7  }
0x105: {  	v30 =	vor.u32 v30, v28;
	v28 =	vmul.f32 v27, v19  }
0x106: {  	v26 =	vmul.f32 v26, v38  }
0x107: {  	(erf) = vrcp.f32 v28  }
0x108: {  	s23 =	simm.s32 $0x300;
	v23 =	vadd.f32 v26, v23;
	v26 =	vmul.f32 v29, v63;
	v29 =	vpop (erf);
	(erf) = vrcp.f32 v25  }
0x109: {  	s31 =	simm.s32 $0x150;
	v28 =	vld [tilespmem:s23+$0x0]  }
0x10a: {  	s24 =	simm.s32 $0x160;
	v27 =	vadd.f32 v26, v23;
	v23 =	vor.u32 s31, v1;
	v26 =	vld.idx.msk [tilespmem:v30+s16+$0x0], $0xffff;
	v29 =	vmul.f32 v29, v20  }
.LBB2_8:
0x10b: {  	p0 =	sne.s32 s24, $0x170;
	v30 =	vand.u32 $0x7F, v23;
	v23 =	vshll.u32 v23, $0x7;
	v31 =	vpop (erf)  }
0x10c: {  	v30 =	vor.u32 v30, v23;
	v23 =	vmul.f32 v31, v19;
	v29 =	vadd.f32 v29, v21;
	v21 =	vmovc v22  }
.Ltmp3:
0x10d: {  	v22 =	vmov v24;
	v24 =	vmov v25;
	(pc) =	sbr.rel @p0 .LBB2_8-.Ltmp3, $4  }
0x10e: {  	(erf) = vrcp.f32 v23;
	v23 =	vmul.f32 v29, v28  }
0x10f: {  	s23 =	sadd.s32 $0x10, s23  }
0x110: {  	v25 =	vmov v26;
	(erf) = vrcp.f32 v26;
	v28 =	vld [tilespmem:s23+$0x0];
	v29 =	vpop (erf);
	v27 =	vadd.f32 v23, v27  }
0x111: {  	v23 =	vor.u32 s24, v1;
	s24 =	sadd.s32 $0x10, s24;
	v26 =	vld.idx.msk [tilespmem:v30+s16+$0x0], $0xffff;
	v29 =	vmul.f32 v29, v20  }
0x112: {  	v30 =	vand.u32 $0x7F, v23;
	v23 =	vshll.u32 v23, $0x7  }
0x113: {  	v23 =	vor.u32 v30, v23;
	_ =	sdelay $0x3  }
0x114: {  	v30 =	vpop (erf)  }
0x115: {  	v30 =	vmul.f32 v30, v19;
	v31 =	vpop (erf);
	v32 =	vld.idx.msk [tilespmem:v23+s16+$0x0], $0xffff  }
0x116: {  	v23 =	vpop (erf)  }
0x117: {  	(erf) = vrcp.f32 v30;
	v23 =	vmul.f32 v23, v19  }
0x118: {  	(erf) = vrcp.f32 v26  }
0x119: {  	(erf) = vrcp.f32 v23  }
0x11a: {  	(erf) = vrcp.f32 v32;
	_ =	sdelay $0x5  }
0x11b: {  	v30 =	vpop (erf)  }
0x11c: {  	v23 =	vpop (erf)  }
0x11d: {  	v33 =	vpop (erf)  }
0x11e: {  	v23 =	vmul.f32 v23, v19;
	v34 =	vpop (erf)  }
0x11f: {  	v34 =	vmul.f32 v34, v19  }
0x120: {  	(erf) = vrcp.f32 v23  }
0x121: {  	(erf) = vrcp.f32 v34;
	_ =	sdelay $0x4  }
0x122: {  	s23 =	sadd.s32 $0x10, s23;
	s24 =	simm.s32 $0x180  }
0x123: {  	v62 =	vld [tilespmem:s23+$0x0];
	s23 =	sadd.s32 $0x10, s23;
	v23 =	vor.u32 s24, v1  }
0x124: {  	v35 =	vld [tilespmem:s23+$0x0];
	s23 =	sadd.s32 $0x10, s23;
	v37 =	vand.u32 $0x7F, v23;
	v23 =	vshll.u32 v23, $0x7  }
0x125: {  	v36 =	vld [tilespmem:s23+$0x0];
	s23 =	sadd.s32 $0x10, s23;
	v23 =	vor.u32 v37, v23;
	v39 =	vpop (erf)  }
0x126: {  	v38 =	vld [tilespmem:s23+$0x0];
	s23 =	sadd.s32 $0x10, s23;
	v40 =	vpop (erf)  }
0x127: {  	v63 =	vld [tilespmem:s23+$0x0];
	_ =	swait.ge [sflag:s19], $0x4000  }
0x128: {  	[sflag:s19] =	ssyncset.done $0x0  }
0x129: {  	[sflag:s19] =	ssyncadd.s32 $0xFFFFC000  }
0x12a: {  	s26 =	simm.s32 $0x190;
	v23 =	vld.idx.msk [tilespmem:v23+s16+$0x0], $0xffff  }
0x12b: {  	v41 =	vor.u32 s26, v1  }
0x12c: {  	v21 =	vadd.f32 v29, v21;
	v42 =	vand.u32 $0x7F, v41;
	v41 =	vshll.u32 v41, $0x7  }
0x12d: {  	v41 =	vor.u32 v42, v41  }
0x12e: {  	v28 =	vmul.f32 v21, v28  }
0x12f: {  	(erf) = vrcp.f32 v23  }
0x130: {  	v27 =	vadd.f32 v28, v27;
	v29 =	vmul.f32 v31, v20;
	v28 =	vmul.f32 v30, v20  }
0x131: {  	s28 =	simm.s32 $0x1A0  }
0x132: {  	v22 =	vadd.f32 v29, v22;
	v24 =	vadd.f32 v28, v24;
	v28 =	vor.u32 s28, v1;
	v21 =	vld.idx.msk [tilespmem:v41+s16+$0x0], $0xffff  }
0x133: {  	v29 =	vand.u32 $0x7F, v28;
	v28 =	vshll.u32 v28, $0x7  }
0x134: {  	v22 =	vmul.f32 v22, v62;
	v28 =	vor.u32 v29, v28;
	_ =	sdelay $0x1  }
0x135: {  	s29 =	simm.s32 $0x1B0;
	v22 =	vadd.f32 v22, v27  }
0x136: {  	v29 =	vor.u32 s29, v1;
	v24 =	vmul.f32 v24, v35;
	(erf) = vrcp.f32 v21  }
0x137: {  	v27 =	vmul.f32 v33, v20;
	v31 =	vand.u32 $0x7F, v29;
	v30 =	vpop (erf)  }
0x138: {  	v29 =	vshll.u32 v29, $0x7;
	v24 =	vadd.f32 v24, v22;
	v22 =	vld.idx.msk [tilespmem:v28+s16+$0x0], $0xffff;
	v30 =	vmul.f32 v30, v19  }
0x139: {  	v25 =	vadd.f32 v27, v25;
	v27 =	vor.u32 v31, v29  }
0x13a: {  	(erf) = vrcp.f32 v30;
	_ =	sdelay $0x1  }
0x13b: {  	v25 =	vmul.f32 v25, v36;
	v29 =	vmul.f32 v39, v20  }
0x13c: {  	s30 =	simm.s32 $0x1C0;
	(erf) = vrcp.f32 v22  }
0x13d: {  	v25 =	vadd.f32 v25, v24;
	v26 =	vadd.f32 v29, v26;
	v28 =	vor.u32 s30, v1;
	v24 =	vld.idx.msk [tilespmem:v27+s16+$0x0], $0xffff  }
0x13e: {  	v29 =	vmul.f32 v40, v20;
	v27 =	vpop (erf);
	v30 =	vand.u32 $0x7F, v28;
	v28 =	vshll.u32 v28, $0x7  }
0x13f: {  	v27 =	vmul.f32 v27, v19;
	v28 =	vor.u32 v30, v28  }
0x140: {  	v26 =	vmul.f32 v26, v38;
	v29 =	vadd.f32 v29, v32  }
0x141: {  	(erf) = vrcp.f32 v27  }
0x142: {  	s23 =	simm.s32 $0x380;
	v25 =	vadd.f32 v26, v25;
	v26 =	vmul.f32 v29, v63;
	v30 =	vpop (erf);
	(erf) = vrcp.f32 v24  }
0x143: {  	s31 =	simm.s32 $0x1D0;
	v27 =	vld [tilespmem:s23+$0x0]  }
0x144: {  	s24 =	simm.s32 $0x1E0;
	v29 =	vor.u32 s31, v1;
	v26 =	vadd.f32 v26, v25;
	v25 =	vld.idx.msk [tilespmem:v28+s16+$0x0], $0xffff;
	v28 =	vmul.f32 v30, v20  }
.LBB2_10:
0x145: {  	p0 =	sne.s32 s24, $0x1F0;
	v30 =	vand.u32 $0x7F, v29;
	v29 =	vshll.u32 v29, $0x7;
	v31 =	vpop (erf)  }
0x146: {  	v30 =	vor.u32 v30, v29;
	v29 =	vmul.f32 v31, v19;
	v28 =	vadd.f32 v28, v23;
	v23 =	vmovc v21  }
.Ltmp4:
0x147: {  	v21 =	vmov v22;
	v22 =	vmov v24;
	(pc) =	sbr.rel @p0 .LBB2_10-.Ltmp4, $4  }
0x148: {  	(erf) = vrcp.f32 v29;
	v29 =	vmul.f32 v28, v27  }
0x149: {  	s23 =	sadd.s32 $0x10, s23  }
0x14a: {  	v24 =	vmov v25;
	(erf) = vrcp.f32 v25;
	v27 =	vld [tilespmem:s23+$0x0];
	v28 =	vpop (erf);
	v26 =	vadd.f32 v29, v26  }
0x14b: {  	v29 =	vor.u32 s24, v1;
	s24 =	sadd.s32 $0x10, s24;
	v25 =	vld.idx.msk [tilespmem:v30+s16+$0x0], $0xffff;
	v28 =	vmul.f32 v28, v20  }
0x14c: {  	v30 =	vand.u32 $0x7F, v29;
	v46 =	vshll.u32 v29, $0x7  }
0x14d: {  	v29 =	vor.u32 v30, v46;
	_ =	sdelay $0x2  }
0x14e: {  	v47 =	vpop (erf)  }
0x14f: {  	v30 =	vmul.f32 v47, v19  }
0x150: {  	v31 =	vpop (erf);
	v29 =	vld.idx.msk [tilespmem:v29+s16+$0x0], $0xffff  }
0x151: {  	(erf) = vrcp.f32 v30;
	v32 =	vpop (erf)  }
0x152: {  	(erf) = vrcp.f32 v25;
	v48 =	vmul.f32 v32, v19;
	_ =	sdelay $0x1  }
0x153: {  	(erf) = vrcp.f32 v48  }
0x154: {  	(erf) = vrcp.f32 v29;
	_ =	sdelay $0x4  }
0x155: {  	v49 =	vpop (erf)  }
0x156: {  	v50 =	vpop (erf)  }
0x157: {  	v32 =	vmul.f32 v50, v19  }
0x158: {  	v33 =	vpop (erf)  }
0x159: {  	(erf) = vrcp.f32 v32;
	v34 =	vpop (erf)  }
0x15a: {  	v19 =	vmul.f32 v34, v19;
	_ =	sdelay $0x1  }
0x15b: {  	s23 =	sadd.s32 $0x10, s23;
	(erf) = vrcp.f32 v19  }
0x15c: {  	v23 =	vadd.f32 v28, v23;
	v19 =	vld [tilespmem:s23+$0x0]  }
0x15d: {  	v51 =	vmul.f32 v31, v20;
	s23 =	sadd.s32 $0x10, s23  }
0x15e: {  	v23 =	vmul.f32 v23, v27;
	v52 =	vld [tilespmem:s23+$0x0]  }
0x15f: {  	v21 =	vadd.f32 v51, v21;
	v53 =	vmul.f32 v49, v20;
	s23 =	sadd.s32 $0x10, s23  }
0x160: {  	v23 =	vadd.f32 v23, v26;
	v55 =	vld [tilespmem:s23+$0x0]  }
0x161: {  	v54 =	vadd.f32 v53, v22;
	v56 =	vmul.f32 v33, v20;
	s23 =	sadd.s32 $0x10, s23;
	v58 =	vpop (erf);
	v19 =	vmul.f32 v21, v19  }
0x162: {  	v57 =	vld [tilespmem:s23+$0x0];
	v59 =	vmul.f32 v58, v20  }
0x163: {  	v24 =	vadd.f32 v56, v24;
	s23 =	sadd.s32 $0x10, s23;
	v21 =	vmul.f32 v54, v52;
	v19 =	vadd.f32 v19, v23  }
0x164: {  	v60 =	vld [tilespmem:s23+$0x0];
	v62 =	vadd.f32 v59, v25;
	v61 =	vpop (erf)  }
0x165: {  	v22 =	vmul.f32 v24, v55;
	v19 =	vadd.f32 v21, v19;
	v20 =	vmul.f32 v61, v20;
	_ =	sdelay $0x1  }
0x166: {  	v63 =	vmul.f32 v62, v57;
	v19 =	vadd.f32 v22, v19;
	v20 =	vadd.f32 v20, v29;
	_ =	sdelay $0x1  }
0x167: {  	v19 =	vadd.f32 v63, v19;
	v20 =	vmul.f32 v20, v60;
	_ =	sdelay $0x1  }
0x168: {  	s22 =	sadd.s32 $0x1, s22;
	v19 =	vadd.f32 v20, v19  }
0x169: {  	p0 =	sne.s32 s22, s9  }
.Ltmp5:
0x16a: {  	[tilespmem:$0x10480] =	vst v19;
	(pc) =	sbr.rel @p0 .LBB2_1-.Ltmp5, $4  }
0x16b: {  	[hbm4b:s8+s4] =	stream.linear.scatter [tilespmem:s20], [sflag:$0x7], $0x80, $0x38;
	[tilespmem:$0x10500] =	vst v63  }
0x16c: {  	_ =	swait.ge [sflag:s21], $0x80  }
0x16d: {  	[sflag:s21] =	ssyncset.done $0x0  }
0x16e: {  	[sflag:s21] =	ssyncadd.s32 $0xFFFFFF80  }
0x16f: {  	_ =	sfence.sel $0x180000  }
0x170: {  	[bflag:$0x0] =	sbarrier.arrive $0xFFFF  }
0x171: {  	p0 =	sne.s32 s2, $0x0;
	_ =	strace $0x90000047  }
0x172: {  	s0 =	sadd.s32 @!p0 $0x100000, s0;
	[bflag:$0x2] =	sbarrier.arrive $0xFFFF  }
0x173: {  	[sflag:s0] =	ssyncadd.tile.s32 @!p0 $0x1;
	_ =	shalt  }
.Lfunc_end2:
_tile_overlayer_lowered:
.L_overlay_start_2:
0x174: {  	(tag) =	ssettag $0x2  }
0x175: {  	s0 =	rddreg [dreg:$0x0];
	s2 =	stileid.u32  }
0x176: {  	s1 =	rddreg [dreg:$0x1];
	p0 =	sne.s32 s2, $0x0  }
0x177: {  	s3 =	rddreg [dreg:$0x2];
	[bflag:$0x3] =	sbarrier.arrive $0xFFFF;
	s2 =	simm.s32 @!p0 $0x1C07  }
0x178: {  	[timem:s3], [sflag:s2] =	dma.local @!p0 [hbm:s0], s1  }
0x179: {  	s0 =	simm.s32 @!p0 $0x7  }
0x17a: {  	_ =	swait.ge @!p0 [sflag:s0], s1  }
0x17b: {  	s1 =	ssub.s32 @!p0 $0x0, s1;
	[sflag:s0] =	ssyncset.done @!p0 $0x0  }
0x17c: {  	[sflag:s0] =	ssyncadd.s32 @!p0 s1  }
0x17d: {  	[bflag:$0x3] =	sbarrier.arrive $0xFFFF  }
0x17e: {  	_ =	shalt  }

</sc_bundles>
